<compile_context>
chip_gen: v7x
topology: tpu7x:2x2x1
jax: 0.10.2.dev20260603
libtpu: 0.0.44.dev20260713+nightly
codegen_flags: <defaults>
</compile_context>

<pallas_src>
import functools

import jax
import jax.numpy as jnp
from jax.experimental import pallas as pl
from jax.experimental.pallas import tpu as pltpu
from jax.experimental.pallas import tpu_sc as plsc

_NC = 2
_NS = 16
_NW = _NC * _NS
_C = 200
_NB = 4


def _gather_rows(idx_grouped, table, n):
    d = table.shape[1]
    nw, per_w = idx_grouped.shape
    c = _C
    g_chunks = per_w // c
    mesh = plsc.VectorSubcoreMesh(core_axis_name="c", subcore_axis_name="s")

    @functools.partial(
        pl.kernel,
        out_type=jax.ShapeDtypeStruct((n, d), table.dtype),
        mesh=mesh,
        scratch_types=[
            pltpu.VMEM((per_w,), jnp.int32),
            pltpu.VMEM((_NB, c, d), table.dtype),
            pltpu.VMEM_SHARED(table.shape, table.dtype),
        ]
        + [pltpu.SemaphoreType.DMA] * (2 * _NB),
    )
    def k(table_hbm, idx_hbm, out_hbm, idx_v, rows_v, table_sp, *sems):
        sid = jax.lax.axis_index("s")
        wid = sid * _NC + jax.lax.axis_index("c")
        base = wid * per_w
        t_rows = table.shape[0] // _NS
        pltpu.sync_copy(
            table_hbm.at[pl.ds(sid * t_rows, t_rows)],
            table_sp.at[pl.ds(sid * t_rows, t_rows)],
        )
        pltpu.sync_copy(idx_hbm.at[wid], idx_v)
        plsc.subcore_barrier()

        gsems = sems[:_NB]
        wsems = sems[_NB:]

        def start_gather(chunk, buf):
            pltpu.async_copy(
                table_sp.at[idx_v.at[pl.ds(chunk * c, c)]],
                rows_v.at[buf],
                gsems[buf],
            )

        def finish_chunk(chunk, buf):
            pltpu.make_async_copy(
                table_sp.at[idx_v.at[pl.ds(0, c)]], rows_v.at[buf], gsems[buf]
            ).wait()
            pltpu.async_copy(
                rows_v.at[buf],
                out_hbm.at[pl.ds(base + chunk * c, c)],
                wsems[buf],
            )

        def wait_write(buf):
            pltpu.make_async_copy(
                rows_v.at[buf],
                out_hbm.at[pl.ds(base, c)],
                wsems[buf],
            ).wait()

        for i in range(_NB):
            start_gather(i, i)
        for i in range(_NB - 1):
            finish_chunk(i, i)

        @pl.loop(_NB, g_chunks, step=_NB)
        def _(chunk0):
            for buf in range(_NB):
                chunk = chunk0 + buf
                other = (buf + _NB - 1) % _NB
                finish_chunk(chunk - 1, other)
                wait_write(buf)
                start_gather(chunk, buf)

        last = g_chunks - 1
        finish_chunk(last, last % _NB)
        for i in range(_NB):
            wait_write(i)

    return k(table, idx_grouped)


def kernel(input_pos_tensors, table):
    b, s = input_pos_tensors.shape
    n = b * s
    d = table.shape[1]
    idx_grouped = input_pos_tensors.T.reshape(_NW, n // _NW)
    out = _gather_rows(idx_grouped, table, n)
    return jnp.swapaxes(out.reshape(s, b, d), 0, 1)

# --- scband reference (transcript-rebuilt; emitter-appended) ---
"""Pipeline reference for scband-sinusord-position-embedding-17824114278885 (READ-ONLY COPY).

The authoritative reference and input builder live on the scoring server;
editing this copy changes nothing except your own understanding.
"""

import jax, jax.numpy as jnp
import numpy as np

MAX_LEN = 2048
EMBED_DIM = 128
BATCH = 4096
SEQ = 50


def _get_sinusoid_encoding_table(n_position, d_hid, padding_idx=None):
    pos = np.arange(n_position, dtype=np.float64)[:, None]
    hid = np.arange(d_hid, dtype=np.float64)[None, :]
    angle = pos / np.power(10000.0, 2.0 * (np.floor(hid / 2.0)) / d_hid)
    table = np.zeros((n_position, d_hid), dtype=np.float64)
    table[:, 0::2] = np.sin(angle[:, 0::2])
    table[:, 1::2] = np.cos(angle[:, 1::2])
    if padding_idx is not None:
        table[padding_idx] = 0.0
    return table.astype(np.float32)


def setup_inputs(seed: int = 0) -> dict:
    key = jax.random.key(seed)
    input_pos_tensors = jax.random.randint(key, (BATCH, SEQ), 0, MAX_LEN, dtype=jnp.int32)
    table = jnp.asarray(_get_sinusoid_encoding_table(MAX_LEN, EMBED_DIM, padding_idx=0))
    return {"input_pos_tensors": input_pos_tensors, "table": table}


def reference(input_pos_tensors, table):
    # nn.Embedding lookup on a frozen sinusoid table -> gather rows
    return jnp.take(table, input_pos_tensors, axis=0)

if __name__ == "__main__":
    import jax
    _d = setup_inputs()
    print(jax.jit(kernel)(*tuple(_d.values())))

</pallas_src>

<mosaic_0001>
#map = affine_map<(d0, d1) -> (0, 0)>
module attributes {stable_mosaic.version = 14 : i64} {
  func.func @k(%arg0: i32, %arg1: i32, %arg2: memref<2048x128xf32, #tpu.memory_space<hbm>>, %arg3: memref<32x6400xi32, #tpu.memory_space<hbm>>, %arg4: memref<204800x128xf32, #tpu.memory_space<hbm>>, %arg5: memref<6400xi32, #tpu.memory_space<vmem>>, %arg6: memref<4x200x128xf32, #tpu.memory_space<vmem>>, %arg7: memref<2048x128xf32, #tpu.memory_space<vmem_shared>>, %arg8: memref<!tpu.dma_semaphore, #tpu.memory_space<semaphore_mem>>, %arg9: memref<!tpu.dma_semaphore, #tpu.memory_space<semaphore_mem>>, %arg10: memref<!tpu.dma_semaphore, #tpu.memory_space<semaphore_mem>>, %arg11: memref<!tpu.dma_semaphore, #tpu.memory_space<semaphore_mem>>, %arg12: memref<!tpu.dma_semaphore, #tpu.memory_space<semaphore_mem>>, %arg13: memref<!tpu.dma_semaphore, #tpu.memory_space<semaphore_mem>>, %arg14: memref<!tpu.dma_semaphore, #tpu.memory_space<semaphore_mem>>, %arg15: memref<!tpu.dma_semaphore, #tpu.memory_space<semaphore_mem>>) attributes {dimension_semantics = [#tpu.dimension_semantics<core_parallel>, #tpu.dimension_semantics<subcore_parallel>], iteration_bounds = array<i64: 2, 16>, scalar_prefetch = 0 : i64, scratch_operands = 11 : i64, tpu.core_type = #tpu.core_type<sc_vector_subcore>, window_params = [{transform_indices = #map}, {transform_indices = #map}, {transform_indices = #map}]} {
    %mul3A = arith.constant 2 : i32
    %mul3A_0 = arith.muli %arg1, %mul3A : i32
    %add3A = arith.addi %mul3A_0, %arg0 : i32
    %mul3A_1 = arith.constant 6400 : i32
    %mul3A_2 = arith.muli %add3A, %mul3A_1 : i32
    %mul3A_3 = arith.constant 128 : i32
    %mul3A_4 = arith.muli %arg1, %mul3A_3 : i32
    %mul3A_5 = arith.constant 128 : i32
    %mul3A_6 = arith.muli %arg1, %mul3A_5 : i32
    "tpu.region"() ({
      %run_scoped3A = tpu.sem_alloc : memref<!tpu.dma_semaphore, #tpu.memory_space<semaphore_mem>>
      %dma_start3A_201 = arith.constant 0 : i32
      %dma_start3A_202 = tpu.memref_slice %arg7[%mul3A_6, %dma_start3A_201] : memref<2048x128xf32, #tpu.memory_space<vmem_shared>> -> memref<128x128xf32, #tpu.memory_space<vmem_shared>>
      %dma_start3A_203 = arith.constant 0 : i32
      %dma_start3A_204 = tpu.memref_slice %arg2[%mul3A_4, %dma_start3A_203] : memref<2048x128xf32, #tpu.memory_space<hbm>> -> memref<128x128xf32, #tpu.memory_space<hbm>>
      tpu.enqueue_dma source(%dma_start3A_204 : memref<128x128xf32, #tpu.memory_space<hbm>>) target(%dma_start3A_202 : memref<128x128xf32, #tpu.memory_space<vmem_shared>>) target_semaphore(%run_scoped3A : memref<!tpu.dma_semaphore, #tpu.memory_space<semaphore_mem>>)
      %dma_wait3A_205 = arith.constant 0 : i32
      %dma_wait3A_206 = tpu.memref_slice %arg7[%mul3A_6, %dma_wait3A_205] : memref<2048x128xf32, #tpu.memory_space<vmem_shared>> -> memref<128x128xf32, #tpu.memory_space<vmem_shared>>
      %dma_wait3A_207 = arith.constant 0 : i32
      %dma_wait3A_208 = tpu.memref_slice %arg2[%mul3A_4, %dma_wait3A_207] : memref<2048x128xf32, #tpu.memory_space<hbm>> -> memref<128x128xf32, #tpu.memory_space<hbm>>
      tpu.wait_dma2 semaphore(%run_scoped3A : memref<!tpu.dma_semaphore, #tpu.memory_space<semaphore_mem>>) src(%dma_wait3A_208 : memref<128x128xf32, #tpu.memory_space<hbm>>) dst(%dma_wait3A_206 : memref<128x128xf32, #tpu.memory_space<vmem_shared>>)
      tpu.yield
    }) : () -> ()
    "tpu.region"() ({
      %run_scoped3A = tpu.sem_alloc : memref<!tpu.dma_semaphore, #tpu.memory_space<semaphore_mem>>
      %dma_start3A_201 = arith.constant 0 : i32
      %dma_start3A_202 = tpu.memref_slice %arg3[%add3A, %dma_start3A_201] : memref<32x6400xi32, #tpu.memory_space<hbm>> -> memref<1x6400xi32, #tpu.memory_space<hbm>>
      %dma_start3A_203 = tpu.memref_squeeze %dma_start3A_202 : memref<1x6400xi32, #tpu.memory_space<hbm>> -> memref<6400xi32, #tpu.memory_space<hbm>>
      %dma_start3A_204 = arith.constant 0 : i32
      %dma_start3A_205 = tpu.memref_slice %arg3[%add3A, %dma_start3A_204] : memref<32x6400xi32, #tpu.memory_space<hbm>> -> memref<1x6400xi32, #tpu.memory_space<hbm>>
      %dma_start3A_206 = tpu.memref_squeeze %dma_start3A_205 : memref<1x6400xi32, #tpu.memory_space<hbm>> -> memref<6400xi32, #tpu.memory_space<hbm>>
      tpu.enqueue_dma source(%dma_start3A_206 : memref<6400xi32, #tpu.memory_space<hbm>>) target(%arg5 : memref<6400xi32, #tpu.memory_space<vmem>>) target_semaphore(%run_scoped3A : memref<!tpu.dma_semaphore, #tpu.memory_space<semaphore_mem>>)
      %dma_wait3A_207 = arith.constant 0 : i32
      %dma_wait3A_208 = tpu.memref_slice %arg3[%add3A, %dma_wait3A_207] : memref<32x6400xi32, #tpu.memory_space<hbm>> -> memref<1x6400xi32, #tpu.memory_space<hbm>>
      %dma_wait3A_209 = tpu.memref_squeeze %dma_wait3A_208 : memref<1x6400xi32, #tpu.memory_space<hbm>> -> memref<6400xi32, #tpu.memory_space<hbm>>
      %dma_wait3A_210 = arith.constant 0 : i32
      %dma_wait3A_211 = tpu.memref_slice %arg3[%add3A, %dma_wait3A_210] : memref<32x6400xi32, #tpu.memory_space<hbm>> -> memref<1x6400xi32, #tpu.memory_space<hbm>>
      %dma_wait3A_212 = tpu.memref_squeeze %dma_wait3A_211 : memref<1x6400xi32, #tpu.memory_space<hbm>> -> memref<6400xi32, #tpu.memory_space<hbm>>
      tpu.wait_dma2 semaphore(%run_scoped3A : memref<!tpu.dma_semaphore, #tpu.memory_space<semaphore_mem>>) src(%dma_wait3A_212 : memref<6400xi32, #tpu.memory_space<hbm>>) dst(%arg5 : memref<6400xi32, #tpu.memory_space<vmem>>)
      tpu.yield
    }) : () -> ()
    %barrier3A = arith.constant 0 : index
    tpu.barrier barrier_id(%barrier3A)
    %dma_start3A = arith.constant 0 : i32
    %dma_start3A_7 = arith.constant 0 : i32
    %dma_start3A_8 = arith.constant 0 : i32
    %dma_start3A_9 = tpu.memref_slice %arg6[%dma_start3A, %dma_start3A_7, %dma_start3A_8] : memref<4x200x128xf32, #tpu.memory_space<vmem>> -> memref<1x200x128xf32, #tpu.memory_space<vmem>>
    %dma_start3A_10 = tpu.memref_squeeze %dma_start3A_9 : memref<1x200x128xf32, #tpu.memory_space<vmem>> -> memref<200x128xf32, #tpu.memory_space<vmem>>
    %dma_start3A_11 = arith.constant 0 : i32
    %dma_start3A_12 = tpu.memref_slice %arg5[%dma_start3A_11] : memref<6400xi32, #tpu.memory_space<vmem>> -> memref<200xi32, #tpu.memory_space<vmem>>
    %dma_start3A_13 = arith.constant 0 : i32
    %dma_start3A_14 = arith.constant 0 : i32
    %dma_start3A_15 = tpu.memref_slice %arg7[%dma_start3A_13, %dma_start3A_14] : memref<2048x128xf32, #tpu.memory_space<vmem_shared>> -> memref<2048x128xf32, #tpu.memory_space<vmem_shared>>
    tpu.enqueue_indirect_dma source(%dma_start3A_15 : memref<2048x128xf32, #tpu.memory_space<vmem_shared>>) target(%dma_start3A_10 : memref<200x128xf32, #tpu.memory_space<vmem>>) offsets(%dma_start3A_12 : memref<200xi32, #tpu.memory_space<vmem>>) semaphore(%arg8 : memref<!tpu.dma_semaphore, #tpu.memory_space<semaphore_mem>>)
    %dma_start3A_16 = arith.constant 1 : i32
    %dma_start3A_17 = arith.constant 0 : i32
    %dma_start3A_18 = arith.constant 0 : i32
    %dma_start3A_19 = tpu.memref_slice %arg6[%dma_start3A_16, %dma_start3A_17, %dma_start3A_18] : memref<4x200x128xf32, #tpu.memory_space<vmem>> -> memref<1x200x128xf32, #tpu.memory_space<vmem>>
    %dma_start3A_20 = tpu.memref_squeeze %dma_start3A_19 : memref<1x200x128xf32, #tpu.memory_space<vmem>> -> memref<200x128xf32, #tpu.memory_space<vmem>>
    %dma_start3A_21 = arith.constant 200 : i32
    %dma_start3A_22 = tpu.memref_slice %arg5[%dma_start3A_21] : memref<6400xi32, #tpu.memory_space<vmem>> -> memref<200xi32, #tpu.memory_space<vmem>>
    %dma_start3A_23 = arith.constant 0 : i32
    %dma_start3A_24 = arith.constant 0 : i32
    %dma_start3A_25 = tpu.memref_slice %arg7[%dma_start3A_23, %dma_start3A_24] : memref<2048x128xf32, #tpu.memory_space<vmem_shared>> -> memref<2048x128xf32, #tpu.memory_space<vmem_shared>>
    tpu.enqueue_indirect_dma source(%dma_start3A_25 : memref<2048x128xf32, #tpu.memory_space<vmem_shared>>) target(%dma_start3A_20 : memref<200x128xf32, #tpu.memory_space<vmem>>) offsets(%dma_start3A_22 : memref<200xi32, #tpu.memory_space<vmem>>) semaphore(%arg9 : memref<!tpu.dma_semaphore, #tpu.memory_space<semaphore_mem>>)
    %dma_start3A_26 = arith.constant 2 : i32
    %dma_start3A_27 = arith.constant 0 : i32
    %dma_start3A_28 = arith.constant 0 : i32
    %dma_start3A_29 = tpu.memref_slice %arg6[%dma_start3A_26, %dma_start3A_27, %dma_start3A_28] : memref<4x200x128xf32, #tpu.memory_space<vmem>> -> memref<1x200x128xf32, #tpu.memory_space<vmem>>
    %dma_start3A_30 = tpu.memref_squeeze %dma_start3A_29 : memref<1x200x128xf32, #tpu.memory_space<vmem>> -> memref<200x128xf32, #tpu.memory_space<vmem>>
    %dma_start3A_31 = arith.constant 400 : i32
    %dma_start3A_32 = tpu.memref_slice %arg5[%dma_start3A_31] : memref<6400xi32, #tpu.memory_space<vmem>> -> memref<200xi32, #tpu.memory_space<vmem>>
    %dma_start3A_33 = arith.constant 0 : i32
    %dma_start3A_34 = arith.constant 0 : i32
    %dma_start3A_35 = tpu.memref_slice %arg7[%dma_start3A_33, %dma_start3A_34] : memref<2048x128xf32, #tpu.memory_space<vmem_shared>> -> memref<2048x128xf32, #tpu.memory_space<vmem_shared>>
    tpu.enqueue_indirect_dma source(%dma_start3A_35 : memref<2048x128xf32, #tpu.memory_space<vmem_shared>>) target(%dma_start3A_30 : memref<200x128xf32, #tpu.memory_space<vmem>>) offsets(%dma_start3A_32 : memref<200xi32, #tpu.memory_space<vmem>>) semaphore(%arg10 : memref<!tpu.dma_semaphore, #tpu.memory_space<semaphore_mem>>)
    %dma_start3A_36 = arith.constant 3 : i32
    %dma_start3A_37 = arith.constant 0 : i32
    %dma_start3A_38 = arith.constant 0 : i32
    %dma_start3A_39 = tpu.memref_slice %arg6[%dma_start3A_36, %dma_start3A_37, %dma_start3A_38] : memref<4x200x128xf32, #tpu.memory_space<vmem>> -> memref<1x200x128xf32, #tpu.memory_space<vmem>>
    %dma_start3A_40 = tpu.memref_squeeze %dma_start3A_39 : memref<1x200x128xf32, #tpu.memory_space<vmem>> -> memref<200x128xf32, #tpu.memory_space<vmem>>
    %dma_start3A_41 = arith.constant 600 : i32
    %dma_start3A_42 = tpu.memref_slice %arg5[%dma_start3A_41] : memref<6400xi32, #tpu.memory_space<vmem>> -> memref<200xi32, #tpu.memory_space<vmem>>
    %dma_start3A_43 = arith.constant 0 : i32
    %dma_start3A_44 = arith.constant 0 : i32
    %dma_start3A_45 = tpu.memref_slice %arg7[%dma_start3A_43, %dma_start3A_44] : memref<2048x128xf32, #tpu.memory_space<vmem_shared>> -> memref<2048x128xf32, #tpu.memory_space<vmem_shared>>
    tpu.enqueue_indirect_dma source(%dma_start3A_45 : memref<2048x128xf32, #tpu.memory_space<vmem_shared>>) target(%dma_start3A_40 : memref<200x128xf32, #tpu.memory_space<vmem>>) offsets(%dma_start3A_42 : memref<200xi32, #tpu.memory_space<vmem>>) semaphore(%arg11 : memref<!tpu.dma_semaphore, #tpu.memory_space<semaphore_mem>>)
    %dma_wait3A = arith.constant 0 : i32
    %dma_wait3A_46 = arith.constant 0 : i32
    %dma_wait3A_47 = arith.constant 0 : i32
    %dma_wait3A_48 = tpu.memref_slice %arg6[%dma_wait3A, %dma_wait3A_46, %dma_wait3A_47] : memref<4x200x128xf32, #tpu.memory_space<vmem>> -> memref<1x200x128xf32, #tpu.memory_space<vmem>>
    %dma_wait3A_49 = tpu.memref_squeeze %dma_wait3A_48 : memref<1x200x128xf32, #tpu.memory_space<vmem>> -> memref<200x128xf32, #tpu.memory_space<vmem>>
    %dma_wait3A_50 = arith.constant 0 : i32
    %dma_wait3A_51 = tpu.memref_slice %arg5[%dma_wait3A_50] : memref<6400xi32, #tpu.memory_space<vmem>> -> memref<200xi32, #tpu.memory_space<vmem>>
    %dma_wait3A_52 = arith.constant 0 : i32
    %dma_wait3A_53 = arith.constant 0 : i32
    %dma_wait3A_54 = tpu.memref_slice %arg7[%dma_wait3A_52, %dma_wait3A_53] : memref<2048x128xf32, #tpu.memory_space<vmem_shared>> -> memref<2048x128xf32, #tpu.memory_space<vmem_shared>>
    tpu.wait_indirect_dma semaphore(%arg8 : memref<!tpu.dma_semaphore, #tpu.memory_space<semaphore_mem>>) src(%dma_wait3A_54 : memref<2048x128xf32, #tpu.memory_space<vmem_shared>>) dst(%dma_wait3A_49 : memref<200x128xf32, #tpu.memory_space<vmem>>)
    %add3A_55 = arith.constant 0 : i32
    %add3A_56 = arith.addi %mul3A_2, %add3A_55 : i32
    %dma_start3A_57 = arith.constant 0 : i32
    %dma_start3A_58 = arith.constant 0 : i32
    %dma_start3A_59 = arith.constant 0 : i32
    %dma_start3A_60 = tpu.memref_slice %arg6[%dma_start3A_57, %dma_start3A_58, %dma_start3A_59] : memref<4x200x128xf32, #tpu.memory_space<vmem>> -> memref<1x200x128xf32, #tpu.memory_space<vmem>>
    %dma_start3A_61 = tpu.memref_squeeze %dma_start3A_60 : memref<1x200x128xf32, #tpu.memory_space<vmem>> -> memref<200x128xf32, #tpu.memory_space<vmem>>
    %dma_start3A_62 = arith.constant 0 : i32
    %dma_start3A_63 = tpu.memref_slice %arg4[%add3A_56, %dma_start3A_62] : memref<204800x128xf32, #tpu.memory_space<hbm>> -> memref<200x128xf32, #tpu.memory_space<hbm>>
    %dma_start3A_64 = arith.constant 0 : i32
    %dma_start3A_65 = tpu.memref_slice %arg4[%add3A_56, %dma_start3A_64] : memref<204800x128xf32, #tpu.memory_space<hbm>> -> memref<200x128xf32, #tpu.memory_space<hbm>>
    %dma_start3A_66 = arith.constant 0 : i32
    %dma_start3A_67 = arith.constant 0 : i32
    %dma_start3A_68 = tpu.memref_slice %arg6[%dma_start3A_57, %dma_start3A_66, %dma_start3A_67] : memref<4x200x128xf32, #tpu.memory_space<vmem>> -> memref<1x200x128xf32, #tpu.memory_space<vmem>>
    %dma_start3A_69 = tpu.memref_squeeze %dma_start3A_68 : memref<1x200x128xf32, #tpu.memory_space<vmem>> -> memref<200x128xf32, #tpu.memory_space<vmem>>
    tpu.enqueue_dma source(%dma_start3A_69 : memref<200x128xf32, #tpu.memory_space<vmem>>) target(%dma_start3A_65 : memref<200x128xf32, #tpu.memory_space<hbm>>) target_semaphore(%arg12 : memref<!tpu.dma_semaphore, #tpu.memory_space<semaphore_mem>>)
    %dma_wait3A_70 = arith.constant 1 : i32
    %dma_wait3A_71 = arith.constant 0 : i32
    %dma_wait3A_72 = arith.constant 0 : i32
    %dma_wait3A_73 = tpu.memref_slice %arg6[%dma_wait3A_70, %dma_wait3A_71, %dma_wait3A_72] : memref<4x200x128xf32, #tpu.memory_space<vmem>> -> memref<1x200x128xf32, #tpu.memory_space<vmem>>
    %dma_wait3A_74 = tpu.memref_squeeze %dma_wait3A_73 : memref<1x200x128xf32, #tpu.memory_space<vmem>> -> memref<200x128xf32, #tpu.memory_space<vmem>>
    %dma_wait3A_75 = arith.constant 0 : i32
    %dma_wait3A_76 = tpu.memref_slice %arg5[%dma_wait3A_75] : memref<6400xi32, #tpu.memory_space<vmem>> -> memref<200xi32, #tpu.memory_space<vmem>>
    %dma_wait3A_77 = arith.constant 0 : i32
    %dma_wait3A_78 = arith.constant 0 : i32
    %dma_wait3A_79 = tpu.memref_slice %arg7[%dma_wait3A_77, %dma_wait3A_78] : memref<2048x128xf32, #tpu.memory_space<vmem_shared>> -> memref<2048x128xf32, #tpu.memory_space<vmem_shared>>
    tpu.wait_indirect_dma semaphore(%arg9 : memref<!tpu.dma_semaphore, #tpu.memory_space<semaphore_mem>>) src(%dma_wait3A_79 : memref<2048x128xf32, #tpu.memory_space<vmem_shared>>) dst(%dma_wait3A_74 : memref<200x128xf32, #tpu.memory_space<vmem>>)
    %add3A_80 = arith.constant 200 : i32
    %add3A_81 = arith.addi %mul3A_2, %add3A_80 : i32
    %dma_start3A_82 = arith.constant 1 : i32
    %dma_start3A_83 = arith.constant 0 : i32
    %dma_start3A_84 = arith.constant 0 : i32
    %dma_start3A_85 = tpu.memref_slice %arg6[%dma_start3A_82, %dma_start3A_83, %dma_start3A_84] : memref<4x200x128xf32, #tpu.memory_space<vmem>> -> memref<1x200x128xf32, #tpu.memory_space<vmem>>
    %dma_start3A_86 = tpu.memref_squeeze %dma_start3A_85 : memref<1x200x128xf32, #tpu.memory_space<vmem>> -> memref<200x128xf32, #tpu.memory_space<vmem>>
    %dma_start3A_87 = arith.constant 0 : i32
    %dma_start3A_88 = tpu.memref_slice %arg4[%add3A_81, %dma_start3A_87] : memref<204800x128xf32, #tpu.memory_space<hbm>> -> memref<200x128xf32, #tpu.memory_space<hbm>>
    %dma_start3A_89 = arith.constant 0 : i32
    %dma_start3A_90 = tpu.memref_slice %arg4[%add3A_81, %dma_start3A_89] : memref<204800x128xf32, #tpu.memory_space<hbm>> -> memref<200x128xf32, #tpu.memory_space<hbm>>
    %dma_start3A_91 = arith.constant 0 : i32
    %dma_start3A_92 = arith.constant 0 : i32
    %dma_start3A_93 = tpu.memref_slice %arg6[%dma_start3A_82, %dma_start3A_91, %dma_start3A_92] : memref<4x200x128xf32, #tpu.memory_space<vmem>> -> memref<1x200x128xf32, #tpu.memory_space<vmem>>
    %dma_start3A_94 = tpu.memref_squeeze %dma_start3A_93 : memref<1x200x128xf32, #tpu.memory_space<vmem>> -> memref<200x128xf32, #tpu.memory_space<vmem>>
    tpu.enqueue_dma source(%dma_start3A_94 : memref<200x128xf32, #tpu.memory_space<vmem>>) target(%dma_start3A_90 : memref<200x128xf32, #tpu.memory_space<hbm>>) target_semaphore(%arg13 : memref<!tpu.dma_semaphore, #tpu.memory_space<semaphore_mem>>)
    %dma_wait3A_95 = arith.constant 2 : i32
    %dma_wait3A_96 = arith.constant 0 : i32
    %dma_wait3A_97 = arith.constant 0 : i32
    %dma_wait3A_98 = tpu.memref_slice %arg6[%dma_wait3A_95, %dma_wait3A_96, %dma_wait3A_97] : memref<4x200x128xf32, #tpu.memory_space<vmem>> -> memref<1x200x128xf32, #tpu.memory_space<vmem>>
    %dma_wait3A_99 = tpu.memref_squeeze %dma_wait3A_98 : memref<1x200x128xf32, #tpu.memory_space<vmem>> -> memref<200x128xf32, #tpu.memory_space<vmem>>
    %dma_wait3A_100 = arith.constant 0 : i32
    %dma_wait3A_101 = tpu.memref_slice %arg5[%dma_wait3A_100] : memref<6400xi32, #tpu.memory_space<vmem>> -> memref<200xi32, #tpu.memory_space<vmem>>
    %dma_wait3A_102 = arith.constant 0 : i32
    %dma_wait3A_103 = arith.constant 0 : i32
    %dma_wait3A_104 = tpu.memref_slice %arg7[%dma_wait3A_102, %dma_wait3A_103] : memref<2048x128xf32, #tpu.memory_space<vmem_shared>> -> memref<2048x128xf32, #tpu.memory_space<vmem_shared>>
    tpu.wait_indirect_dma semaphore(%arg10 : memref<!tpu.dma_semaphore, #tpu.memory_space<semaphore_mem>>) src(%dma_wait3A_104 : memref<2048x128xf32, #tpu.memory_space<vmem_shared>>) dst(%dma_wait3A_99 : memref<200x128xf32, #tpu.memory_space<vmem>>)
    %add3A_105 = arith.constant 400 : i32
    %add3A_106 = arith.addi %mul3A_2, %add3A_105 : i32
    %dma_start3A_107 = arith.constant 2 : i32
    %dma_start3A_108 = arith.constant 0 : i32
    %dma_start3A_109 = arith.constant 0 : i32
    %dma_start3A_110 = tpu.memref_slice %arg6[%dma_start3A_107, %dma_start3A_108, %dma_start3A_109] : memref<4x200x128xf32, #tpu.memory_space<vmem>> -> memref<1x200x128xf32, #tpu.memory_space<vmem>>
    %dma_start3A_111 = tpu.memref_squeeze %dma_start3A_110 : memref<1x200x128xf32, #tpu.memory_space<vmem>> -> memref<200x128xf32, #tpu.memory_space<vmem>>
    %dma_start3A_112 = arith.constant 0 : i32
    %dma_start3A_113 = tpu.memref_slice %arg4[%add3A_106, %dma_start3A_112] : memref<204800x128xf32, #tpu.memory_space<hbm>> -> memref<200x128xf32, #tpu.memory_space<hbm>>
    %dma_start3A_114 = arith.constant 0 : i32
    %dma_start3A_115 = tpu.memref_slice %arg4[%add3A_106, %dma_start3A_114] : memref<204800x128xf32, #tpu.memory_space<hbm>> -> memref<200x128xf32, #tpu.memory_space<hbm>>
    %dma_start3A_116 = arith.constant 0 : i32
    %dma_start3A_117 = arith.constant 0 : i32
    %dma_start3A_118 = tpu.memref_slice %arg6[%dma_start3A_107, %dma_start3A_116, %dma_start3A_117] : memref<4x200x128xf32, #tpu.memory_space<vmem>> -> memref<1x200x128xf32, #tpu.memory_space<vmem>>
    %dma_start3A_119 = tpu.memref_squeeze %dma_start3A_118 : memref<1x200x128xf32, #tpu.memory_space<vmem>> -> memref<200x128xf32, #tpu.memory_space<vmem>>
    tpu.enqueue_dma source(%dma_start3A_119 : memref<200x128xf32, #tpu.memory_space<vmem>>) target(%dma_start3A_115 : memref<200x128xf32, #tpu.memory_space<hbm>>) target_semaphore(%arg14 : memref<!tpu.dma_semaphore, #tpu.memory_space<semaphore_mem>>)
    %scan3A = arith.constant 0 : i32
    %scan3A_120 = arith.constant 7 : i32
    %scan3A_121 = arith.addi %scan3A, %scan3A_120 : i32
    %scan3A_122 = arith.constant 1 : i32
    scf.for %scan3A_201 = %scan3A to %scan3A_121 step %scan3A_122  : i32 {
      %mul3A_202 = arith.constant 4 : i32
      %mul3A_203 = arith.muli %scan3A_201, %mul3A_202 : i32
      %add3A_204 = arith.constant 4 : i32
      %add3A_205 = arith.addi %add3A_204, %mul3A_203 : i32
      %add3A_206 = arith.constant 0 : i32
      %add3A_207 = arith.addi %add3A_205, %add3A_206 : i32
      %sub3A = arith.constant 1 : i32
      %sub3A_208 = arith.subi %add3A_207, %sub3A : i32
      %dma_wait3A_209 = arith.constant 3 : i32
      %dma_wait3A_210 = arith.constant 0 : i32
      %dma_wait3A_211 = arith.constant 0 : i32
      %dma_wait3A_212 = tpu.memref_slice %arg6[%dma_wait3A_209, %dma_wait3A_210, %dma_wait3A_211] : memref<4x200x128xf32, #tpu.memory_space<vmem>> -> memref<1x200x128xf32, #tpu.memory_space<vmem>>
      %dma_wait3A_213 = tpu.memref_squeeze %dma_wait3A_212 : memref<1x200x128xf32, #tpu.memory_space<vmem>> -> memref<200x128xf32, #tpu.memory_space<vmem>>
      %dma_wait3A_214 = arith.constant 0 : i32
      %dma_wait3A_215 = tpu.memref_slice %arg5[%dma_wait3A_214] : memref<6400xi32, #tpu.memory_space<vmem>> -> memref<200xi32, #tpu.memory_space<vmem>>
      %dma_wait3A_216 = arith.constant 0 : i32
      %dma_wait3A_217 = arith.constant 0 : i32
      %dma_wait3A_218 = tpu.memref_slice %arg7[%dma_wait3A_216, %dma_wait3A_217] : memref<2048x128xf32, #tpu.memory_space<vmem_shared>> -> memref<2048x128xf32, #tpu.memory_space<vmem_shared>>
      tpu.wait_indirect_dma semaphore(%arg11 : memref<!tpu.dma_semaphore, #tpu.memory_space<semaphore_mem>>) src(%dma_wait3A_218 : memref<2048x128xf32, #tpu.memory_space<vmem_shared>>) dst(%dma_wait3A_213 : memref<200x128xf32, #tpu.memory_space<vmem>>)
      %mul3A_219 = arith.constant 200 : i32
      %mul3A_220 = arith.muli %sub3A_208, %mul3A_219 : i32
      %add3A_221 = arith.addi %mul3A_2, %mul3A_220 : i32
      %dma_start3A_222 = arith.constant 3 : i32
      %dma_start3A_223 = arith.constant 0 : i32
      %dma_start3A_224 = arith.constant 0 : i32
      %dma_start3A_225 = tpu.memref_slice %arg6[%dma_start3A_222, %dma_start3A_223, %dma_start3A_224] : memref<4x200x128xf32, #tpu.memory_space<vmem>> -> memref<1x200x128xf32, #tpu.memory_space<vmem>>
      %dma_start3A_226 = tpu.memref_squeeze %dma_start3A_225 : memref<1x200x128xf32, #tpu.memory_space<vmem>> -> memref<200x128xf32, #tpu.memory_space<vmem>>
      %dma_start3A_227 = arith.constant 0 : i32
      %dma_start3A_228 = tpu.memref_slice %arg4[%add3A_221, %dma_start3A_227] : memref<204800x128xf32, #tpu.memory_space<hbm>> -> memref<200x128xf32, #tpu.memory_space<hbm>>
      %dma_start3A_229 = arith.constant 0 : i32
      %dma_start3A_230 = tpu.memref_slice %arg4[%add3A_221, %dma_start3A_229] : memref<204800x128xf32, #tpu.memory_space<hbm>> -> memref<200x128xf32, #tpu.memory_space<hbm>>
      %dma_start3A_231 = arith.constant 0 : i32
      %dma_start3A_232 = arith.constant 0 : i32
      %dma_start3A_233 = tpu.memref_slice %arg6[%dma_start3A_222, %dma_start3A_231, %dma_start3A_232] : memref<4x200x128xf32, #tpu.memory_space<vmem>> -> memref<1x200x128xf32, #tpu.memory_space<vmem>>
      %dma_start3A_234 = tpu.memref_squeeze %dma_start3A_233 : memref<1x200x128xf32, #tpu.memory_space<vmem>> -> memref<200x128xf32, #tpu.memory_space<vmem>>
      tpu.enqueue_dma source(%dma_start3A_234 : memref<200x128xf32, #tpu.memory_space<vmem>>) target(%dma_start3A_230 : memref<200x128xf32, #tpu.memory_space<hbm>>) target_semaphore(%arg15 : memref<!tpu.dma_semaphore, #tpu.memory_space<semaphore_mem>>)
      %dma_wait3A_235 = arith.constant 0 : i32
      %dma_wait3A_236 = arith.constant 0 : i32
      %dma_wait3A_237 = arith.constant 0 : i32
      %dma_wait3A_238 = tpu.memref_slice %arg6[%dma_wait3A_235, %dma_wait3A_236, %dma_wait3A_237] : memref<4x200x128xf32, #tpu.memory_space<vmem>> -> memref<1x200x128xf32, #tpu.memory_space<vmem>>
      %dma_wait3A_239 = tpu.memref_squeeze %dma_wait3A_238 : memref<1x200x128xf32, #tpu.memory_space<vmem>> -> memref<200x128xf32, #tpu.memory_space<vmem>>
      %dma_wait3A_240 = arith.constant 0 : i32
      %dma_wait3A_241 = tpu.memref_slice %arg4[%mul3A_2, %dma_wait3A_240] : memref<204800x128xf32, #tpu.memory_space<hbm>> -> memref<200x128xf32, #tpu.memory_space<hbm>>
      %dma_wait3A_242 = arith.constant 0 : i32
      %dma_wait3A_243 = tpu.memref_slice %arg4[%mul3A_2, %dma_wait3A_242] : memref<204800x128xf32, #tpu.memory_space<hbm>> -> memref<200x128xf32, #tpu.memory_space<hbm>>
      %dma_wait3A_244 = arith.constant 0 : i32
      %dma_wait3A_245 = arith.constant 0 : i32
      %dma_wait3A_246 = tpu.memref_slice %arg6[%dma_wait3A_235, %dma_wait3A_244, %dma_wait3A_245] : memref<4x200x128xf32, #tpu.memory_space<vmem>> -> memref<1x200x128xf32, #tpu.memory_space<vmem>>
      %dma_wait3A_247 = tpu.memref_squeeze %dma_wait3A_246 : memref<1x200x128xf32, #tpu.memory_space<vmem>> -> memref<200x128xf32, #tpu.memory_space<vmem>>
      tpu.wait_dma2 semaphore(%arg12 : memref<!tpu.dma_semaphore, #tpu.memory_space<semaphore_mem>>) src(%dma_wait3A_247 : memref<200x128xf32, #tpu.memory_space<vmem>>) dst(%dma_wait3A_243 : memref<200x128xf32, #tpu.memory_space<hbm>>)
      %mul3A_248 = arith.constant 200 : i32
      %mul3A_249 = arith.muli %add3A_207, %mul3A_248 : i32
      %dma_start3A_250 = arith.constant 0 : i32
      %dma_start3A_251 = arith.constant 0 : i32
      %dma_start3A_252 = arith.constant 0 : i32
      %dma_start3A_253 = tpu.memref_slice %arg6[%dma_start3A_250, %dma_start3A_251, %dma_start3A_252] : memref<4x200x128xf32, #tpu.memory_space<vmem>> -> memref<1x200x128xf32, #tpu.memory_space<vmem>>
      %dma_start3A_254 = tpu.memref_squeeze %dma_start3A_253 : memref<1x200x128xf32, #tpu.memory_space<vmem>> -> memref<200x128xf32, #tpu.memory_space<vmem>>
      %dma_start3A_255 = tpu.memref_slice %arg5[%mul3A_249] : memref<6400xi32, #tpu.memory_space<vmem>> -> memref<200xi32, #tpu.memory_space<vmem>>
      %dma_start3A_256 = arith.constant 0 : i32
      %dma_start3A_257 = arith.constant 0 : i32
      %dma_start3A_258 = tpu.memref_slice %arg7[%dma_start3A_256, %dma_start3A_257] : memref<2048x128xf32, #tpu.memory_space<vmem_shared>> -> memref<2048x128xf32, #tpu.memory_space<vmem_shared>>
      tpu.enqueue_indirect_dma source(%dma_start3A_258 : memref<2048x128xf32, #tpu.memory_space<vmem_shared>>) target(%dma_start3A_254 : memref<200x128xf32, #tpu.memory_space<vmem>>) offsets(%dma_start3A_255 : memref<200xi32, #tpu.memory_space<vmem>>) semaphore(%arg8 : memref<!tpu.dma_semaphore, #tpu.memory_space<semaphore_mem>>)
      %add3A_259 = arith.constant 1 : i32
      %add3A_260 = arith.addi %add3A_205, %add3A_259 : i32
      %sub3A_261 = arith.constant 1 : i32
      %sub3A_262 = arith.subi %add3A_260, %sub3A_261 : i32
      %dma_wait3A_263 = arith.constant 0 : i32
      %dma_wait3A_264 = arith.constant 0 : i32
      %dma_wait3A_265 = arith.constant 0 : i32
      %dma_wait3A_266 = tpu.memref_slice %arg6[%dma_wait3A_263, %dma_wait3A_264, %dma_wait3A_265] : memref<4x200x128xf32, #tpu.memory_space<vmem>> -> memref<1x200x128xf32, #tpu.memory_space<vmem>>
      %dma_wait3A_267 = tpu.memref_squeeze %dma_wait3A_266 : memref<1x200x128xf32, #tpu.memory_space<vmem>> -> memref<200x128xf32, #tpu.memory_space<vmem>>
      %dma_wait3A_268 = arith.constant 0 : i32
      %dma_wait3A_269 = tpu.memref_slice %arg5[%dma_wait3A_268] : memref<6400xi32, #tpu.memory_space<vmem>> -> memref<200xi32, #tpu.memory_space<vmem>>
      %dma_wait3A_270 = arith.constant 0 : i32
      %dma_wait3A_271 = arith.constant 0 : i32
      %dma_wait3A_272 = tpu.memref_slice %arg7[%dma_wait3A_270, %dma_wait3A_271] : memref<2048x128xf32, #tpu.memory_space<vmem_shared>> -> memref<2048x128xf32, #tpu.memory_space<vmem_shared>>
      tpu.wait_indirect_dma semaphore(%arg8 : memref<!tpu.dma_semaphore, #tpu.memory_space<semaphore_mem>>) src(%dma_wait3A_272 : memref<2048x128xf32, #tpu.memory_space<vmem_shared>>) dst(%dma_wait3A_267 : memref<200x128xf32, #tpu.memory_space<vmem>>)
      %mul3A_273 = arith.constant 200 : i32
      %mul3A_274 = arith.muli %sub3A_262, %mul3A_273 : i32
      %add3A_275 = arith.addi %mul3A_2, %mul3A_274 : i32
      %dma_start3A_276 = arith.constant 0 : i32
      %dma_start3A_277 = arith.constant 0 : i32
      %dma_start3A_278 = arith.constant 0 : i32
      %dma_start3A_279 = tpu.memref_slice %arg6[%dma_start3A_276, %dma_start3A_277, %dma_start3A_278] : memref<4x200x128xf32, #tpu.memory_space<vmem>> -> memref<1x200x128xf32, #tpu.memory_space<vmem>>
      %dma_start3A_280 = tpu.memref_squeeze %dma_start3A_279 : memref<1x200x128xf32, #tpu.memory_space<vmem>> -> memref<200x128xf32, #tpu.memory_space<vmem>>
      %dma_start3A_281 = arith.constant 0 : i32
      %dma_start3A_282 = tpu.memref_slice %arg4[%add3A_275, %dma_start3A_281] : memref<204800x128xf32, #tpu.memory_space<hbm>> -> memref<200x128xf32, #tpu.memory_space<hbm>>
      %dma_start3A_283 = arith.constant 0 : i32
      %dma_start3A_284 = tpu.memref_slice %arg4[%add3A_275, %dma_start3A_283] : memref<204800x128xf32, #tpu.memory_space<hbm>> -> memref<200x128xf32, #tpu.memory_space<hbm>>
      %dma_start3A_285 = arith.constant 0 : i32
      %dma_start3A_286 = arith.constant 0 : i32
      %dma_start3A_287 = tpu.memref_slice %arg6[%dma_start3A_276, %dma_start3A_285, %dma_start3A_286] : memref<4x200x128xf32, #tpu.memory_space<vmem>> -> memref<1x200x128xf32, #tpu.memory_space<vmem>>
      %dma_start3A_288 = tpu.memref_squeeze %dma_start3A_287 : memref<1x200x128xf32, #tpu.memory_space<vmem>> -> memref<200x128xf32, #tpu.memory_space<vmem>>
      tpu.enqueue_dma source(%dma_start3A_288 : memref<200x128xf32, #tpu.memory_space<vmem>>) target(%dma_start3A_284 : memref<200x128xf32, #tpu.memory_space<hbm>>) target_semaphore(%arg12 : memref<!tpu.dma_semaphore, #tpu.memory_space<semaphore_mem>>)
      %dma_wait3A_289 = arith.constant 1 : i32
      %dma_wait3A_290 = arith.constant 0 : i32
      %dma_wait3A_291 = arith.constant 0 : i32
      %dma_wait3A_292 = tpu.memref_slice %arg6[%dma_wait3A_289, %dma_wait3A_290, %dma_wait3A_291] : memref<4x200x128xf32, #tpu.memory_space<vmem>> -> memref<1x200x128xf32, #tpu.memory_space<vmem>>
      %dma_wait3A_293 = tpu.memref_squeeze %dma_wait3A_292 : memref<1x200x128xf32, #tpu.memory_space<vmem>> -> memref<200x128xf32, #tpu.memory_space<vmem>>
      %dma_wait3A_294 = arith.constant 0 : i32
      %dma_wait3A_295 = tpu.memref_slice %arg4[%mul3A_2, %dma_wait3A_294] : memref<204800x128xf32, #tpu.memory_space<hbm>> -> memref<200x128xf32, #tpu.memory_space<hbm>>
      %dma_wait3A_296 = arith.constant 0 : i32
      %dma_wait3A_297 = tpu.memref_slice %arg4[%mul3A_2, %dma_wait3A_296] : memref<204800x128xf32, #tpu.memory_space<hbm>> -> memref<200x128xf32, #tpu.memory_space<hbm>>
      %dma_wait3A_298 = arith.constant 0 : i32
      %dma_wait3A_299 = arith.constant 0 : i32
      %dma_wait3A_300 = tpu.memref_slice %arg6[%dma_wait3A_289, %dma_wait3A_298, %dma_wait3A_299] : memref<4x200x128xf32, #tpu.memory_space<vmem>> -> memref<1x200x128xf32, #tpu.memory_space<vmem>>
      %dma_wait3A_301 = tpu.memref_squeeze %dma_wait3A_300 : memref<1x200x128xf32, #tpu.memory_space<vmem>> -> memref<200x128xf32, #tpu.memory_space<vmem>>
      tpu.wait_dma2 semaphore(%arg13 : memref<!tpu.dma_semaphore, #tpu.memory_space<semaphore_mem>>) src(%dma_wait3A_301 : memref<200x128xf32, #tpu.memory_space<vmem>>) dst(%dma_wait3A_297 : memref<200x128xf32, #tpu.memory_space<hbm>>)
      %mul3A_302 = arith.constant 200 : i32
      %mul3A_303 = arith.muli %add3A_260, %mul3A_302 : i32
      %dma_start3A_304 = arith.constant 1 : i32
      %dma_start3A_305 = arith.constant 0 : i32
      %dma_start3A_306 = arith.constant 0 : i32
      %dma_start3A_307 = tpu.memref_slice %arg6[%dma_start3A_304, %dma_start3A_305, %dma_start3A_306] : memref<4x200x128xf32, #tpu.memory_space<vmem>> -> memref<1x200x128xf32, #tpu.memory_space<vmem>>
      %dma_start3A_308 = tpu.memref_squeeze %dma_start3A_307 : memref<1x200x128xf32, #tpu.memory_space<vmem>> -> memref<200x128xf32, #tpu.memory_space<vmem>>
      %dma_start3A_309 = tpu.memref_slice %arg5[%mul3A_303] : memref<6400xi32, #tpu.memory_space<vmem>> -> memref<200xi32, #tpu.memory_space<vmem>>
      %dma_start3A_310 = arith.constant 0 : i32
      %dma_start3A_311 = arith.constant 0 : i32
      %dma_start3A_312 = tpu.memref_slice %arg7[%dma_start3A_310, %dma_start3A_311] : memref<2048x128xf32, #tpu.memory_space<vmem_shared>> -> memref<2048x128xf32, #tpu.memory_space<vmem_shared>>
      tpu.enqueue_indirect_dma source(%dma_start3A_312 : memref<2048x128xf32, #tpu.memory_space<vmem_shared>>) target(%dma_start3A_308 : memref<200x128xf32, #tpu.memory_space<vmem>>) offsets(%dma_start3A_309 : memref<200xi32, #tpu.memory_space<vmem>>) semaphore(%arg9 : memref<!tpu.dma_semaphore, #tpu.memory_space<semaphore_mem>>)
      %add3A_313 = arith.constant 2 : i32
      %add3A_314 = arith.addi %add3A_205, %add3A_313 : i32
      %sub3A_315 = arith.constant 1 : i32
      %sub3A_316 = arith.subi %add3A_314, %sub3A_315 : i32
      %dma_wait3A_317 = arith.constant 1 : i32
      %dma_wait3A_318 = arith.constant 0 : i32
      %dma_wait3A_319 = arith.constant 0 : i32
      %dma_wait3A_320 = tpu.memref_slice %arg6[%dma_wait3A_317, %dma_wait3A_318, %dma_wait3A_319] : memref<4x200x128xf32, #tpu.memory_space<vmem>> -> memref<1x200x128xf32, #tpu.memory_space<vmem>>
      %dma_wait3A_321 = tpu.memref_squeeze %dma_wait3A_320 : memref<1x200x128xf32, #tpu.memory_space<vmem>> -> memref<200x128xf32, #tpu.memory_space<vmem>>
      %dma_wait3A_322 = arith.constant 0 : i32
      %dma_wait3A_323 = tpu.memref_slice %arg5[%dma_wait3A_322] : memref<6400xi32, #tpu.memory_space<vmem>> -> memref<200xi32, #tpu.memory_space<vmem>>
      %dma_wait3A_324 = arith.constant 0 : i32
      %dma_wait3A_325 = arith.constant 0 : i32
      %dma_wait3A_326 = tpu.memref_slice %arg7[%dma_wait3A_324, %dma_wait3A_325] : memref<2048x128xf32, #tpu.memory_space<vmem_shared>> -> memref<2048x128xf32, #tpu.memory_space<vmem_shared>>
      tpu.wait_indirect_dma semaphore(%arg9 : memref<!tpu.dma_semaphore, #tpu.memory_space<semaphore_mem>>) src(%dma_wait3A_326 : memref<2048x128xf32, #tpu.memory_space<vmem_shared>>) dst(%dma_wait3A_321 : memref<200x128xf32, #tpu.memory_space<vmem>>)
      %mul3A_327 = arith.constant 200 : i32
      %mul3A_328 = arith.muli %sub3A_316, %mul3A_327 : i32
      %add3A_329 = arith.addi %mul3A_2, %mul3A_328 : i32
      %dma_start3A_330 = arith.constant 1 : i32
      %dma_start3A_331 = arith.constant 0 : i32
      %dma_start3A_332 = arith.constant 0 : i32
      %dma_start3A_333 = tpu.memref_slice %arg6[%dma_start3A_330, %dma_start3A_331, %dma_start3A_332] : memref<4x200x128xf32, #tpu.memory_space<vmem>> -> memref<1x200x128xf32, #tpu.memory_space<vmem>>
      %dma_start3A_334 = tpu.memref_squeeze %dma_start3A_333 : memref<1x200x128xf32, #tpu.memory_space<vmem>> -> memref<200x128xf32, #tpu.memory_space<vmem>>
      %dma_start3A_335 = arith.constant 0 : i32
      %dma_start3A_336 = tpu.memref_slice %arg4[%add3A_329, %dma_start3A_335] : memref<204800x128xf32, #tpu.memory_space<hbm>> -> memref<200x128xf32, #tpu.memory_space<hbm>>
      %dma_start3A_337 = arith.constant 0 : i32
      %dma_start3A_338 = tpu.memref_slice %arg4[%add3A_329, %dma_start3A_337] : memref<204800x128xf32, #tpu.memory_space<hbm>> -> memref<200x128xf32, #tpu.memory_space<hbm>>
      %dma_start3A_339 = arith.constant 0 : i32
      %dma_start3A_340 = arith.constant 0 : i32
      %dma_start3A_341 = tpu.memref_slice %arg6[%dma_start3A_330, %dma_start3A_339, %dma_start3A_340] : memref<4x200x128xf32, #tpu.memory_space<vmem>> -> memref<1x200x128xf32, #tpu.memory_space<vmem>>
      %dma_start3A_342 = tpu.memref_squeeze %dma_start3A_341 : memref<1x200x128xf32, #tpu.memory_space<vmem>> -> memref<200x128xf32, #tpu.memory_space<vmem>>
      tpu.enqueue_dma source(%dma_start3A_342 : memref<200x128xf32, #tpu.memory_space<vmem>>) target(%dma_start3A_338 : memref<200x128xf32, #tpu.memory_space<hbm>>) target_semaphore(%arg13 : memref<!tpu.dma_semaphore, #tpu.memory_space<semaphore_mem>>)
      %dma_wait3A_343 = arith.constant 2 : i32
      %dma_wait3A_344 = arith.constant 0 : i32
      %dma_wait3A_345 = arith.constant 0 : i32
      %dma_wait3A_346 = tpu.memref_slice %arg6[%dma_wait3A_343, %dma_wait3A_344, %dma_wait3A_345] : memref<4x200x128xf32, #tpu.memory_space<vmem>> -> memref<1x200x128xf32, #tpu.memory_space<vmem>>
      %dma_wait3A_347 = tpu.memref_squeeze %dma_wait3A_346 : memref<1x200x128xf32, #tpu.memory_space<vmem>> -> memref<200x128xf32, #tpu.memory_space<vmem>>
      %dma_wait3A_348 = arith.constant 0 : i32
      %dma_wait3A_349 = tpu.memref_slice %arg4[%mul3A_2, %dma_wait3A_348] : memref<204800x128xf32, #tpu.memory_space<hbm>> -> memref<200x128xf32, #tpu.memory_space<hbm>>
      %dma_wait3A_350 = arith.constant 0 : i32
      %dma_wait3A_351 = tpu.memref_slice %arg4[%mul3A_2, %dma_wait3A_350] : memref<204800x128xf32, #tpu.memory_space<hbm>> -> memref<200x128xf32, #tpu.memory_space<hbm>>
      %dma_wait3A_352 = arith.constant 0 : i32
      %dma_wait3A_353 = arith.constant 0 : i32
      %dma_wait3A_354 = tpu.memref_slice %arg6[%dma_wait3A_343, %dma_wait3A_352, %dma_wait3A_353] : memref<4x200x128xf32, #tpu.memory_space<vmem>> -> memref<1x200x128xf32, #tpu.memory_space<vmem>>
      %dma_wait3A_355 = tpu.memref_squeeze %dma_wait3A_354 : memref<1x200x128xf32, #tpu.memory_space<vmem>> -> memref<200x128xf32, #tpu.memory_space<vmem>>
      tpu.wait_dma2 semaphore(%arg14 : memref<!tpu.dma_semaphore, #tpu.memory_space<semaphore_mem>>) src(%dma_wait3A_355 : memref<200x128xf32, #tpu.memory_space<vmem>>) dst(%dma_wait3A_351 : memref<200x128xf32, #tpu.memory_space<hbm>>)
      %mul3A_356 = arith.constant 200 : i32
      %mul3A_357 = arith.muli %add3A_314, %mul3A_356 : i32
      %dma_start3A_358 = arith.constant 2 : i32
      %dma_start3A_359 = arith.constant 0 : i32
      %dma_start3A_360 = arith.constant 0 : i32
      %dma_start3A_361 = tpu.memref_slice %arg6[%dma_start3A_358, %dma_start3A_359, %dma_start3A_360] : memref<4x200x128xf32, #tpu.memory_space<vmem>> -> memref<1x200x128xf32, #tpu.memory_space<vmem>>
      %dma_start3A_362 = tpu.memref_squeeze %dma_start3A_361 : memref<1x200x128xf32, #tpu.memory_space<vmem>> -> memref<200x128xf32, #tpu.memory_space<vmem>>
      %dma_start3A_363 = tpu.memref_slice %arg5[%mul3A_357] : memref<6400xi32, #tpu.memory_space<vmem>> -> memref<200xi32, #tpu.memory_space<vmem>>
      %dma_start3A_364 = arith.constant 0 : i32
      %dma_start3A_365 = arith.constant 0 : i32
      %dma_start3A_366 = tpu.memref_slice %arg7[%dma_start3A_364, %dma_start3A_365] : memref<2048x128xf32, #tpu.memory_space<vmem_shared>> -> memref<2048x128xf32, #tpu.memory_space<vmem_shared>>
      tpu.enqueue_indirect_dma source(%dma_start3A_366 : memref<2048x128xf32, #tpu.memory_space<vmem_shared>>) target(%dma_start3A_362 : memref<200x128xf32, #tpu.memory_space<vmem>>) offsets(%dma_start3A_363 : memref<200xi32, #tpu.memory_space<vmem>>) semaphore(%arg10 : memref<!tpu.dma_semaphore, #tpu.memory_space<semaphore_mem>>)
      %add3A_367 = arith.constant 3 : i32
      %add3A_368 = arith.addi %add3A_205, %add3A_367 : i32
      %sub3A_369 = arith.constant 1 : i32
      %sub3A_370 = arith.subi %add3A_368, %sub3A_369 : i32
      %dma_wait3A_371 = arith.constant 2 : i32
      %dma_wait3A_372 = arith.constant 0 : i32
      %dma_wait3A_373 = arith.constant 0 : i32
      %dma_wait3A_374 = tpu.memref_slice %arg6[%dma_wait3A_371, %dma_wait3A_372, %dma_wait3A_373] : memref<4x200x128xf32, #tpu.memory_space<vmem>> -> memref<1x200x128xf32, #tpu.memory_space<vmem>>
      %dma_wait3A_375 = tpu.memref_squeeze %dma_wait3A_374 : memref<1x200x128xf32, #tpu.memory_space<vmem>> -> memref<200x128xf32, #tpu.memory_space<vmem>>
      %dma_wait3A_376 = arith.constant 0 : i32
      %dma_wait3A_377 = tpu.memref_slice %arg5[%dma_wait3A_376] : memref<6400xi32, #tpu.memory_space<vmem>> -> memref<200xi32, #tpu.memory_space<vmem>>
      %dma_wait3A_378 = arith.constant 0 : i32
      %dma_wait3A_379 = arith.constant 0 : i32
      %dma_wait3A_380 = tpu.memref_slice %arg7[%dma_wait3A_378, %dma_wait3A_379] : memref<2048x128xf32, #tpu.memory_space<vmem_shared>> -> memref<2048x128xf32, #tpu.memory_space<vmem_shared>>
      tpu.wait_indirect_dma semaphore(%arg10 : memref<!tpu.dma_semaphore, #tpu.memory_space<semaphore_mem>>) src(%dma_wait3A_380 : memref<2048x128xf32, #tpu.memory_space<vmem_shared>>) dst(%dma_wait3A_375 : memref<200x128xf32, #tpu.memory_space<vmem>>)
      %mul3A_381 = arith.constant 200 : i32
      %mul3A_382 = arith.muli %sub3A_370, %mul3A_381 : i32
      %add3A_383 = arith.addi %mul3A_2, %mul3A_382 : i32
      %dma_start3A_384 = arith.constant 2 : i32
      %dma_start3A_385 = arith.constant 0 : i32
      %dma_start3A_386 = arith.constant 0 : i32
      %dma_start3A_387 = tpu.memref_slice %arg6[%dma_start3A_384, %dma_start3A_385, %dma_start3A_386] : memref<4x200x128xf32, #tpu.memory_space<vmem>> -> memref<1x200x128xf32, #tpu.memory_space<vmem>>
      %dma_start3A_388 = tpu.memref_squeeze %dma_start3A_387 : memref<1x200x128xf32, #tpu.memory_space<vmem>> -> memref<200x128xf32, #tpu.memory_space<vmem>>
      %dma_start3A_389 = arith.constant 0 : i32
      %dma_start3A_390 = tpu.memref_slice %arg4[%add3A_383, %dma_start3A_389] : memref<204800x128xf32, #tpu.memory_space<hbm>> -> memref<200x128xf32, #tpu.memory_space<hbm>>
      %dma_start3A_391 = arith.constant 0 : i32
      %dma_start3A_392 = tpu.memref_slice %arg4[%add3A_383, %dma_start3A_391] : memref<204800x128xf32, #tpu.memory_space<hbm>> -> memref<200x128xf32, #tpu.memory_space<hbm>>
      %dma_start3A_393 = arith.constant 0 : i32
      %dma_start3A_394 = arith.constant 0 : i32
      %dma_start3A_395 = tpu.memref_slice %arg6[%dma_start3A_384, %dma_start3A_393, %dma_start3A_394] : memref<4x200x128xf32, #tpu.memory_space<vmem>> -> memref<1x200x128xf32, #tpu.memory_space<vmem>>
      %dma_start3A_396 = tpu.memref_squeeze %dma_start3A_395 : memref<1x200x128xf32, #tpu.memory_space<vmem>> -> memref<200x128xf32, #tpu.memory_space<vmem>>
      tpu.enqueue_dma source(%dma_start3A_396 : memref<200x128xf32, #tpu.memory_space<vmem>>) target(%dma_start3A_392 : memref<200x128xf32, #tpu.memory_space<hbm>>) target_semaphore(%arg14 : memref<!tpu.dma_semaphore, #tpu.memory_space<semaphore_mem>>)
      %dma_wait3A_397 = arith.constant 3 : i32
      %dma_wait3A_398 = arith.constant 0 : i32
      %dma_wait3A_399 = arith.constant 0 : i32
      %dma_wait3A_400 = tpu.memref_slice %arg6[%dma_wait3A_397, %dma_wait3A_398, %dma_wait3A_399] : memref<4x200x128xf32, #tpu.memory_space<vmem>> -> memref<1x200x128xf32, #tpu.memory_space<vmem>>
      %dma_wait3A_401 = tpu.memref_squeeze %dma_wait3A_400 : memref<1x200x128xf32, #tpu.memory_space<vmem>> -> memref<200x128xf32, #tpu.memory_space<vmem>>
      %dma_wait3A_402 = arith.constant 0 : i32
      %dma_wait3A_403 = tpu.memref_slice %arg4[%mul3A_2, %dma_wait3A_402] : memref<204800x128xf32, #tpu.memory_space<hbm>> -> memref<200x128xf32, #tpu.memory_space<hbm>>
      %dma_wait3A_404 = arith.constant 0 : i32
      %dma_wait3A_405 = tpu.memref_slice %arg4[%mul3A_2, %dma_wait3A_404] : memref<204800x128xf32, #tpu.memory_space<hbm>> -> memref<200x128xf32, #tpu.memory_space<hbm>>
      %dma_wait3A_406 = arith.constant 0 : i32
      %dma_wait3A_407 = arith.constant 0 : i32
      %dma_wait3A_408 = tpu.memref_slice %arg6[%dma_wait3A_397, %dma_wait3A_406, %dma_wait3A_407] : memref<4x200x128xf32, #tpu.memory_space<vmem>> -> memref<1x200x128xf32, #tpu.memory_space<vmem>>
      %dma_wait3A_409 = tpu.memref_squeeze %dma_wait3A_408 : memref<1x200x128xf32, #tpu.memory_space<vmem>> -> memref<200x128xf32, #tpu.memory_space<vmem>>
      tpu.wait_dma2 semaphore(%arg15 : memref<!tpu.dma_semaphore, #tpu.memory_space<semaphore_mem>>) src(%dma_wait3A_409 : memref<200x128xf32, #tpu.memory_space<vmem>>) dst(%dma_wait3A_405 : memref<200x128xf32, #tpu.memory_space<hbm>>)
      %mul3A_410 = arith.constant 200 : i32
      %mul3A_411 = arith.muli %add3A_368, %mul3A_410 : i32
      %dma_start3A_412 = arith.constant 3 : i32
      %dma_start3A_413 = arith.constant 0 : i32
      %dma_start3A_414 = arith.constant 0 : i32
      %dma_start3A_415 = tpu.memref_slice %arg6[%dma_start3A_412, %dma_start3A_413, %dma_start3A_414] : memref<4x200x128xf32, #tpu.memory_space<vmem>> -> memref<1x200x128xf32, #tpu.memory_space<vmem>>
      %dma_start3A_416 = tpu.memref_squeeze %dma_start3A_415 : memref<1x200x128xf32, #tpu.memory_space<vmem>> -> memref<200x128xf32, #tpu.memory_space<vmem>>
      %dma_start3A_417 = tpu.memref_slice %arg5[%mul3A_411] : memref<6400xi32, #tpu.memory_space<vmem>> -> memref<200xi32, #tpu.memory_space<vmem>>
      %dma_start3A_418 = arith.constant 0 : i32
      %dma_start3A_419 = arith.constant 0 : i32
      %dma_start3A_420 = tpu.memref_slice %arg7[%dma_start3A_418, %dma_start3A_419] : memref<2048x128xf32, #tpu.memory_space<vmem_shared>> -> memref<2048x128xf32, #tpu.memory_space<vmem_shared>>
      tpu.enqueue_indirect_dma source(%dma_start3A_420 : memref<2048x128xf32, #tpu.memory_space<vmem_shared>>) target(%dma_start3A_416 : memref<200x128xf32, #tpu.memory_space<vmem>>) offsets(%dma_start3A_417 : memref<200xi32, #tpu.memory_space<vmem>>) semaphore(%arg11 : memref<!tpu.dma_semaphore, #tpu.memory_space<semaphore_mem>>)
    }
    %scan3A_123 = arith.constant 7 : i32
    %dma_wait3A_124 = arith.constant 3 : i32
    %dma_wait3A_125 = arith.constant 0 : i32
    %dma_wait3A_126 = arith.constant 0 : i32
    %dma_wait3A_127 = tpu.memref_slice %arg6[%dma_wait3A_124, %dma_wait3A_125, %dma_wait3A_126] : memref<4x200x128xf32, #tpu.memory_space<vmem>> -> memref<1x200x128xf32, #tpu.memory_space<vmem>>
    %dma_wait3A_128 = tpu.memref_squeeze %dma_wait3A_127 : memref<1x200x128xf32, #tpu.memory_space<vmem>> -> memref<200x128xf32, #tpu.memory_space<vmem>>
    %dma_wait3A_129 = arith.constant 0 : i32
    %dma_wait3A_130 = tpu.memref_slice %arg5[%dma_wait3A_129] : memref<6400xi32, #tpu.memory_space<vmem>> -> memref<200xi32, #tpu.memory_space<vmem>>
    %dma_wait3A_131 = arith.constant 0 : i32
    %dma_wait3A_132 = arith.constant 0 : i32
    %dma_wait3A_133 = tpu.memref_slice %arg7[%dma_wait3A_131, %dma_wait3A_132] : memref<2048x128xf32, #tpu.memory_space<vmem_shared>> -> memref<2048x128xf32, #tpu.memory_space<vmem_shared>>
    tpu.wait_indirect_dma semaphore(%arg11 : memref<!tpu.dma_semaphore, #tpu.memory_space<semaphore_mem>>) src(%dma_wait3A_133 : memref<2048x128xf32, #tpu.memory_space<vmem_shared>>) dst(%dma_wait3A_128 : memref<200x128xf32, #tpu.memory_space<vmem>>)
    %add3A_134 = arith.constant 6200 : i32
    %add3A_135 = arith.addi %mul3A_2, %add3A_134 : i32
    %dma_start3A_136 = arith.constant 3 : i32
    %dma_start3A_137 = arith.constant 0 : i32
    %dma_start3A_138 = arith.constant 0 : i32
    %dma_start3A_139 = tpu.memref_slice %arg6[%dma_start3A_136, %dma_start3A_137, %dma_start3A_138] : memref<4x200x128xf32, #tpu.memory_space<vmem>> -> memref<1x200x128xf32, #tpu.memory_space<vmem>>
    %dma_start3A_140 = tpu.memref_squeeze %dma_start3A_139 : memref<1x200x128xf32, #tpu.memory_space<vmem>> -> memref<200x128xf32, #tpu.memory_space<vmem>>
    %dma_start3A_141 = arith.constant 0 : i32
    %dma_start3A_142 = tpu.memref_slice %arg4[%add3A_135, %dma_start3A_141] : memref<204800x128xf32, #tpu.memory_space<hbm>> -> memref<200x128xf32, #tpu.memory_space<hbm>>
    %dma_start3A_143 = arith.constant 0 : i32
    %dma_start3A_144 = tpu.memref_slice %arg4[%add3A_135, %dma_start3A_143] : memref<204800x128xf32, #tpu.memory_space<hbm>> -> memref<200x128xf32, #tpu.memory_space<hbm>>
    %dma_start3A_145 = arith.constant 0 : i32
    %dma_start3A_146 = arith.constant 0 : i32
    %dma_start3A_147 = tpu.memref_slice %arg6[%dma_start3A_136, %dma_start3A_145, %dma_start3A_146] : memref<4x200x128xf32, #tpu.memory_space<vmem>> -> memref<1x200x128xf32, #tpu.memory_space<vmem>>
    %dma_start3A_148 = tpu.memref_squeeze %dma_start3A_147 : memref<1x200x128xf32, #tpu.memory_space<vmem>> -> memref<200x128xf32, #tpu.memory_space<vmem>>
    tpu.enqueue_dma source(%dma_start3A_148 : memref<200x128xf32, #tpu.memory_space<vmem>>) target(%dma_start3A_144 : memref<200x128xf32, #tpu.memory_space<hbm>>) target_semaphore(%arg15 : memref<!tpu.dma_semaphore, #tpu.memory_space<semaphore_mem>>)
    %dma_wait3A_149 = arith.constant 0 : i32
    %dma_wait3A_150 = arith.constant 0 : i32
    %dma_wait3A_151 = arith.constant 0 : i32
    %dma_wait3A_152 = tpu.memref_slice %arg6[%dma_wait3A_149, %dma_wait3A_150, %dma_wait3A_151] : memref<4x200x128xf32, #tpu.memory_space<vmem>> -> memref<1x200x128xf32, #tpu.memory_space<vmem>>
    %dma_wait3A_153 = tpu.memref_squeeze %dma_wait3A_152 : memref<1x200x128xf32, #tpu.memory_space<vmem>> -> memref<200x128xf32, #tpu.memory_space<vmem>>
    %dma_wait3A_154 = arith.constant 0 : i32
    %dma_wait3A_155 = tpu.memref_slice %arg4[%mul3A_2, %dma_wait3A_154] : memref<204800x128xf32, #tpu.memory_space<hbm>> -> memref<200x128xf32, #tpu.memory_space<hbm>>
    %dma_wait3A_156 = arith.constant 0 : i32
    %dma_wait3A_157 = tpu.memref_slice %arg4[%mul3A_2, %dma_wait3A_156] : memref<204800x128xf32, #tpu.memory_space<hbm>> -> memref<200x128xf32, #tpu.memory_space<hbm>>
    %dma_wait3A_158 = arith.constant 0 : i32
    %dma_wait3A_159 = arith.constant 0 : i32
    %dma_wait3A_160 = tpu.memref_slice %arg6[%dma_wait3A_149, %dma_wait3A_158, %dma_wait3A_159] : memref<4x200x128xf32, #tpu.memory_space<vmem>> -> memref<1x200x128xf32, #tpu.memory_space<vmem>>
    %dma_wait3A_161 = tpu.memref_squeeze %dma_wait3A_160 : memref<1x200x128xf32, #tpu.memory_space<vmem>> -> memref<200x128xf32, #tpu.memory_space<vmem>>
    tpu.wait_dma2 semaphore(%arg12 : memref<!tpu.dma_semaphore, #tpu.memory_space<semaphore_mem>>) src(%dma_wait3A_161 : memref<200x128xf32, #tpu.memory_space<vmem>>) dst(%dma_wait3A_157 : memref<200x128xf32, #tpu.memory_space<hbm>>)
    %dma_wait3A_162 = arith.constant 1 : i32
    %dma_wait3A_163 = arith.constant 0 : i32
    %dma_wait3A_164 = arith.constant 0 : i32
    %dma_wait3A_165 = tpu.memref_slice %arg6[%dma_wait3A_162, %dma_wait3A_163, %dma_wait3A_164] : memref<4x200x128xf32, #tpu.memory_space<vmem>> -> memref<1x200x128xf32, #tpu.memory_space<vmem>>
    %dma_wait3A_166 = tpu.memref_squeeze %dma_wait3A_165 : memref<1x200x128xf32, #tpu.memory_space<vmem>> -> memref<200x128xf32, #tpu.memory_space<vmem>>
    %dma_wait3A_167 = arith.constant 0 : i32
    %dma_wait3A_168 = tpu.memref_slice %arg4[%mul3A_2, %dma_wait3A_167] : memref<204800x128xf32, #tpu.memory_space<hbm>> -> memref<200x128xf32, #tpu.memory_space<hbm>>
    %dma_wait3A_169 = arith.constant 0 : i32
    %dma_wait3A_170 = tpu.memref_slice %arg4[%mul3A_2, %dma_wait3A_169] : memref<204800x128xf32, #tpu.memory_space<hbm>> -> memref<200x128xf32, #tpu.memory_space<hbm>>
    %dma_wait3A_171 = arith.constant 0 : i32
    %dma_wait3A_172 = arith.constant 0 : i32
    %dma_wait3A_173 = tpu.memref_slice %arg6[%dma_wait3A_162, %dma_wait3A_171, %dma_wait3A_172] : memref<4x200x128xf32, #tpu.memory_space<vmem>> -> memref<1x200x128xf32, #tpu.memory_space<vmem>>
    %dma_wait3A_174 = tpu.memref_squeeze %dma_wait3A_173 : memref<1x200x128xf32, #tpu.memory_space<vmem>> -> memref<200x128xf32, #tpu.memory_space<vmem>>
    tpu.wait_dma2 semaphore(%arg13 : memref<!tpu.dma_semaphore, #tpu.memory_space<semaphore_mem>>) src(%dma_wait3A_174 : memref<200x128xf32, #tpu.memory_space<vmem>>) dst(%dma_wait3A_170 : memref<200x128xf32, #tpu.memory_space<hbm>>)
    %dma_wait3A_175 = arith.constant 2 : i32
    %dma_wait3A_176 = arith.constant 0 : i32
    %dma_wait3A_177 = arith.constant 0 : i32
    %dma_wait3A_178 = tpu.memref_slice %arg6[%dma_wait3A_175, %dma_wait3A_176, %dma_wait3A_177] : memref<4x200x128xf32, #tpu.memory_space<vmem>> -> memref<1x200x128xf32, #tpu.memory_space<vmem>>
    %dma_wait3A_179 = tpu.memref_squeeze %dma_wait3A_178 : memref<1x200x128xf32, #tpu.memory_space<vmem>> -> memref<200x128xf32, #tpu.memory_space<vmem>>
    %dma_wait3A_180 = arith.constant 0 : i32
    %dma_wait3A_181 = tpu.memref_slice %arg4[%mul3A_2, %dma_wait3A_180] : memref<204800x128xf32, #tpu.memory_space<hbm>> -> memref<200x128xf32, #tpu.memory_space<hbm>>
    %dma_wait3A_182 = arith.constant 0 : i32
    %dma_wait3A_183 = tpu.memref_slice %arg4[%mul3A_2, %dma_wait3A_182] : memref<204800x128xf32, #tpu.memory_space<hbm>> -> memref<200x128xf32, #tpu.memory_space<hbm>>
    %dma_wait3A_184 = arith.constant 0 : i32
    %dma_wait3A_185 = arith.constant 0 : i32
    %dma_wait3A_186 = tpu.memref_slice %arg6[%dma_wait3A_175, %dma_wait3A_184, %dma_wait3A_185] : memref<4x200x128xf32, #tpu.memory_space<vmem>> -> memref<1x200x128xf32, #tpu.memory_space<vmem>>
    %dma_wait3A_187 = tpu.memref_squeeze %dma_wait3A_186 : memref<1x200x128xf32, #tpu.memory_space<vmem>> -> memref<200x128xf32, #tpu.memory_space<vmem>>
    tpu.wait_dma2 semaphore(%arg14 : memref<!tpu.dma_semaphore, #tpu.memory_space<semaphore_mem>>) src(%dma_wait3A_187 : memref<200x128xf32, #tpu.memory_space<vmem>>) dst(%dma_wait3A_183 : memref<200x128xf32, #tpu.memory_space<hbm>>)
    %dma_wait3A_188 = arith.constant 3 : i32
    %dma_wait3A_189 = arith.constant 0 : i32
    %dma_wait3A_190 = arith.constant 0 : i32
    %dma_wait3A_191 = tpu.memref_slice %arg6[%dma_wait3A_188, %dma_wait3A_189, %dma_wait3A_190] : memref<4x200x128xf32, #tpu.memory_space<vmem>> -> memref<1x200x128xf32, #tpu.memory_space<vmem>>
    %dma_wait3A_192 = tpu.memref_squeeze %dma_wait3A_191 : memref<1x200x128xf32, #tpu.memory_space<vmem>> -> memref<200x128xf32, #tpu.memory_space<vmem>>
    %dma_wait3A_193 = arith.constant 0 : i32
    %dma_wait3A_194 = tpu.memref_slice %arg4[%mul3A_2, %dma_wait3A_193] : memref<204800x128xf32, #tpu.memory_space<hbm>> -> memref<200x128xf32, #tpu.memory_space<hbm>>
    %dma_wait3A_195 = arith.constant 0 : i32
    %dma_wait3A_196 = tpu.memref_slice %arg4[%mul3A_2, %dma_wait3A_195] : memref<204800x128xf32, #tpu.memory_space<hbm>> -> memref<200x128xf32, #tpu.memory_space<hbm>>
    %dma_wait3A_197 = arith.constant 0 : i32
    %dma_wait3A_198 = arith.constant 0 : i32
    %dma_wait3A_199 = tpu.memref_slice %arg6[%dma_wait3A_188, %dma_wait3A_197, %dma_wait3A_198] : memref<4x200x128xf32, #tpu.memory_space<vmem>> -> memref<1x200x128xf32, #tpu.memory_space<vmem>>
    %dma_wait3A_200 = tpu.memref_squeeze %dma_wait3A_199 : memref<1x200x128xf32, #tpu.memory_space<vmem>> -> memref<200x128xf32, #tpu.memory_space<vmem>>
    tpu.wait_dma2 semaphore(%arg15 : memref<!tpu.dma_semaphore, #tpu.memory_space<semaphore_mem>>) src(%dma_wait3A_200 : memref<200x128xf32, #tpu.memory_space<vmem>>) dst(%dma_wait3A_196 : memref<200x128xf32, #tpu.memory_space<hbm>>)
    return
  }
}

</mosaic_0001>

<sc_bundles>
// kernel: kernel.3.cloned.1.call-start
scs
__scs_entry_jumppad:
0x0: {  	(pc) =	sbr.rel $0x88, $3  }
0x1: {  	(tag) =	ssettag $0x0;
	lr =	simm.s32 $0x1  }
0x2: {  	[smem:$0x3F9F] =	sst lr;
	_ =	strace $0xD0000000  }
0x3: {  	_ = 	snop  }
0x4: {  	_ = 	snop  }
0x5: {  	_ = 	snop  }
0x6: {  	_ = 	snop  }
0x7: {  	_ = 	snop  }
__scs_overlays_trampoline_lowered:
0x8: {  	[smem:$0x3FAE] =	sst s0  }
0x9: {  	[smem:$0x3FAF] =	sst s1  }
0xa: {  	[smem:$0x3FB0] =	sst s2  }
0xb: {  	[smem:$0x3FB1] =	sst s3  }
0xc: {  	[smem:$0x3FB2] =	sst s4  }
0xd: {  	[smem:$0x3FB3] =	sst s5  }
0xe: {  	[smem:$0x3FB4] =	sst s6  }
0xf: {  	[smem:$0x3FB5] =	sst s7  }
0x10: {  	[smem:$0x3FB6] =	sst s8  }
0x11: {  	[smem:$0x3FB7] =	sst s9;
	s0 =	simm.s32 @!p0 $0x0  }
0x12: {  	s1 =	sld [smem:$0x3F9D];
	s0 =	simm.s32 @p0 $0x1  }
0x13: {  	[smem:$0x3FB8] =	sst s0;
	s0 =	simm.s32 @!p1 $0x0  }
0x14: {  	s2 =	sld [smem:$0x3F9C];
	s0 =	simm.s32 @p1 $0x1  }
0x15: {  	[smem:$0x3FB9] =	sst s0;
	s0 =	simm.s32 @!p2 $0x0  }
0x16: {  	s3 =	sld [smem:$0x3FDB];
	s0 =	simm.s32 @p2 $0x1  }
0x17: {  	s4 =	simm.s32 $0x1BF5;
	[smem:$0x3FBB] =	sst s0  }
0x18: {  	s0 =	sld [smem:$0x3F9E];
	_ =	swait.ge [sflag:s4], $0x0  }
0x19: {  	s7 =	sld [smem:$0x3F9F]  }
0x1a: {  	s8 =	sadd.s32 $0xFFFFE003, lr  }
0x1b: {  	s9 =	sadd.s32 $0xFFFFFEF7, lr;
	s5 =	simm.s32 $0xFFFFFFFF;
	p2 =	slt.u32 s8, $0xFFFFF086  }
0x1c: {  	p1 =	slt.u32 s9, $0xF7A;
	s5 =	simm.s32 @!p2 $0x0  }
0x1d: {  	s5 =	simm.s32 @p1 $0x1;
	p0 =	seq.s32 s7, s2  }
0x1e: {  	s7 =	smul.u32 @!p0 $0xF7A, s2;
	p2 =	seq.s32 @!p0 s5, $0x0  }
0x1f: {  	s9 =	smul.u32 $0xF7A, s1;
	s8 =	simm.s32 @!p0 $0x1BF5;
	p2 =	por !p2, p0  }
0x20: {  	[sflag:s8] =	ssyncset.s32 @!p0 $0xFFFFF086;
	s6 =	sadd.s32 @!p0 s3, s7;
	s7 =	simm.s32 @!p0 $0x108  }
0x21: {  	s3 =	sadd.s32 s3, s9;
	s6 =	sadd.s32 @!p0 $0x88, s6;
	s7 =	simm.s32 @p2 $0x1082  }
0x22: {  	[simem:s7], [sflag:s8] =	dma.local @!p0 [hbm:s6], $0xF7A  }
0x23: {  	s9 =	sor.u32 $0xD0000000, s2;
	s6 =	simm.s32 $0x108;
	_ =	swait.ge @!p0 [sflag:s8], $0x0  }
0x24: {  	s3 =	sadd.s32 $0x88, s3;
	s6 =	simm.s32 @!p1 $0x1082;
	[sflag:s4] =	ssyncset.s32 $0xFFFFF086  }
0x25: {  	[simem:s6], [sflag:s4] =	dma.local [hbm:s3], $0xF7A  }
0x26: {  	[smem:$0x3F9F] =	sst s1;
	(tag) =	ssettag s2;
	_ =	strace s9  }
0x27: {  	s1 =	sld [smem:$0x3FAF]  }
0x28: {  	s2 =	sld [smem:$0x3FB0]  }
0x29: {  	s4 =	sld [smem:$0x3FB2]  }
0x2a: {  	p0 =	seq.s32 s5, $0x0;
	s5 =	sld [smem:$0x3FB3]  }
0x2b: {  	s6 =	sld [smem:$0x3FB4]  }
0x2c: {  	s7 =	sld [smem:$0x3FB5]  }
0x2d: {  	s3 =	simm.s32 $0x108;
	s8 =	sld [smem:$0x3FB6]  }
0x2e: {  	s3 =	simm.s32 @!p0 $0x1082;
	s9 =	sld [smem:$0x3FB7]  }
0x2f: {  	lr =	sadd.s32 s0, s3;
	s0 =	sld [smem:$0x3FAE]  }
0x30: {  	s3 =	sld [smem:$0x3FB1]  }
0x31: {  	[smem:$0x3FBA] =	sst s10  }
0x32: {  	s10 =	sld [smem:$0x3FB8];
	_ =	sdelay $0x3  }
0x33: {  	p0 =	seq.s32 s10, $0x1;
	s10 =	sld [smem:$0x3FBA];
	_ =	sdelay $0x3  }
0x34: {  	[smem:$0x3FBA] =	sst s10  }
0x35: {  	s10 =	sld [smem:$0x3FB9];
	_ =	sdelay $0x3  }
0x36: {  	p1 =	seq.s32 s10, $0x1;
	s10 =	sld [smem:$0x3FBA];
	_ =	sdelay $0x3  }
0x37: {  	[smem:$0x3FBA] =	sst s10  }
0x38: {  	s10 =	sld [smem:$0x3FBB]  }
0x39: {  	_ = 	snop;
	(pc) =	sbr.ind lr, $3  }
0x3a: {  	_ = 	snop  }
0x3b: {  	_ = 	snop  }
0x3c: {  	p2 =	seq.s32 s10, $0x1;
	s10 =	sld [smem:$0x3FBA]  }
0x3d: {  	_ =	shalt  }
0x3e: {  	_ =	shalt  }
0x3f: {  	_ =	shalt  }
0x40: {  	_ =	shalt  }
0x41: {  	_ =	shalt  }
0x42: {  	_ =	shalt  }
0x43: {  	_ =	shalt  }
0x44: {  	_ =	shalt  }
0x45: {  	_ =	shalt  }
0x46: {  	_ =	shalt  }
0x47: {  	_ =	shalt  }
0x48: {  	_ =	shalt  }
0x49: {  	_ =	shalt  }
0x4a: {  	_ =	shalt  }
0x4b: {  	_ =	shalt  }
0x4c: {  	_ =	shalt  }
0x4d: {  	_ =	shalt  }
0x4e: {  	_ =	shalt  }
0x4f: {  	_ =	shalt  }
0x50: {  	_ =	shalt  }
0x51: {  	_ =	shalt  }
0x52: {  	_ =	shalt  }
0x53: {  	_ =	shalt  }
0x54: {  	_ =	shalt  }
0x55: {  	_ =	shalt  }
0x56: {  	_ =	shalt  }
0x57: {  	_ =	shalt  }
0x58: {  	_ =	shalt  }
0x59: {  	_ =	shalt  }
0x5a: {  	_ =	shalt  }
0x5b: {  	_ =	shalt  }
0x5c: {  	_ =	shalt  }
0x5d: {  	_ =	shalt  }
0x5e: {  	_ =	shalt  }
0x5f: {  	_ =	shalt  }
0x60: {  	_ =	shalt  }
0x61: {  	_ =	shalt  }
0x62: {  	_ =	shalt  }
0x63: {  	_ =	shalt  }
0x64: {  	_ =	shalt  }
0x65: {  	_ =	shalt  }
0x66: {  	_ =	shalt  }
0x67: {  	_ =	shalt  }
0x68: {  	_ =	shalt  }
0x69: {  	_ =	shalt  }
0x6a: {  	_ =	shalt  }
0x6b: {  	_ =	shalt  }
0x6c: {  	_ =	shalt  }
0x6d: {  	_ =	shalt  }
0x6e: {  	_ =	shalt  }
0x6f: {  	_ =	shalt  }
0x70: {  	_ =	shalt  }
0x71: {  	_ =	shalt  }
0x72: {  	_ =	shalt  }
0x73: {  	_ =	shalt  }
0x74: {  	_ =	shalt  }
0x75: {  	_ =	shalt  }
0x76: {  	_ =	shalt  }
0x77: {  	_ =	shalt  }
0x78: {  	_ =	shalt  }
0x79: {  	_ =	shalt  }
0x7a: {  	_ =	shalt  }
0x7b: {  	_ =	shalt  }
0x7c: {  	_ =	shalt  }
0x7d: {  	_ =	shalt  }
0x7e: {  	_ =	shalt  }
0x7f: {  	_ =	shalt  }
0x80: {  	_ =	shalt  }
0x81: {  	_ =	shalt  }
0x82: {  	_ =	shalt  }
0x83: {  	_ =	shalt  }
0x84: {  	_ =	shalt  }
0x85: {  	_ =	shalt  }
0x86: {  	_ =	shalt  }
0x87: {  	_ =	shalt  }
.Lfunc_end0:
.L_simem_size_0:
called_computation_lowered:
.L_overlay_start_0:
0x88: {  	s2 =	sld [smem:$0x3FD9]  }
0x89: {  	s3 =	sld [smem:$0x3FFE];
	_ =	sdelay $0x1  }
0x8a: {  	s1 =	srdreg.scid  }
0x8b: {  	s0 =	sand.u32 $0x1, s1  }
0x8c: {  	s17 =	sshll.u32 s0, $0xA;
	s2 =	sadd.s32 s3, s2  }
0x8d: {  	s2 =	sadd.s32 s2, s17  }
0x8e: {  	[smem:$0x3FC6] =	sst s2  }
0x8f: {  	_ = 	snop  }
0x90: {  	s2 =	sld [smem:$0x3FC8]  }
0x91: {  	s18 =	sld [smem:$0x3FD0];
	(tm) =	ssettm $0x1  }
0x92: {  	s4 =	sld [smem:$0x3FFB];
	_ =	sdelay $0x3  }
0x93: {  	_ =	strace s4  }
0x94: {  	s4 =	sld [smem:$0x3FFC];
	_ =	sdelay $0x3  }
0x95: {  	_ =	strace s4  }
0x96: {  	s4 =	sld [smem:$0x3FFD];
	_ =	sdelay $0x3  }
0x97: {  	_ =	strace s4  }
0x98: {  	_ =	strace $0x8FFFFFFF  }
0x99: {  	s19 =	sld [smem:$0x3FDB];
	_ =	sdelay $0x1  }
0x9a: {  	s5 =	simm.s32 $_scs_section_size  }
0x9b: {  	s6 =	simm.s32 $_size__tile_overlayer_lowered;
	s7 =	simm.s32 $_tile_overlayer_lowered  }
0x9c: {  	s22 =	simm.s32 $0x1BFF;
	s21 =	sshll.u32 s7, $0x1;
	s4 =	sadd.s32 s5, s19  }
0x9d: {  	s8 =	simm.s32 $0x0;
	s20 =	sshll.u32 s6, $0x1;
	s6 =	sadd.s32 s21, s4  }
0x9e: {  	[timem:s8], [sflag:s22] =	dma.local [hbm:s6], s20  }
0x9f: {  	_ =	swait.ge [sflag:s22], s20  }
0xa0: {  	s5 =	ssub.s32 $0x0, s20;
	[sflag:s22] =	ssyncset.done $0x0  }
0xa1: {  	[sflag:s22] =	ssyncadd.s32 s5;
	_ =	sdelay $0x1  }
0xa2: {  	s23 =	simm.s32 $0x1B8B  }
0xa3: {  	_ =	swait.ge [sflag:s23], $0x1  }
0xa4: {  	[sflag:s23] =	ssyncset.done $0x0  }
0xa5: {  	s25 =	simm.s32 $0x1B8E;
	s24 =	sld [smem:$0x3FFE];
	[sflag:s23] =	ssyncadd.s32 $0xFFFFFFFF  }
0xa6: {  	s26 =	simm.s32 $execute0_lowered;
	[smem:$0x3FD2] =	sst s25  }
0xa7: {  	s6 =	sshll.u32 s26, $0x1;
	_ =	strace $0x80000046;
	[dreg:$0x1] =	wrdreg $0xFFFFFFFF  }
0xa8: {  	s28 =	simm.s32 $_size_execute0_lowered;
	s4 =	sadd.s32 s4, s6;
	[dreg:$0x0] =	wrdreg $0x0  }
0xa9: {  	s6 =	sshll.u32 s28, $0x1;
	[dreg:$0x2] =	wrdreg s4  }
0xaa: {  	[dreg:$0x3] =	wrdreg s6  }
0xab: {  	[dreg:$0x4] =	wrdreg $0xC0  }
0xac: {  	_ =	task [dreg:s8], $0x5FFFF  }
0xad: {  	[dreg:$0x1] =	wrdreg $0xFFFFFFFF  }
0xae: {  	[dreg:$0x0] =	wrdreg $0x60  }
0xaf: {  	[dreg:$0x2] =	wrdreg s2  }
0xb0: {  	[dreg:$0x3] =	wrdreg s24  }
0xb1: {  	[dreg:$0x4] =	wrdreg s18  }
0xb2: {  	[dreg:$0x5] =	wrdreg $0x1A9000  }
0xb3: {  	[dreg:$0x6] =	wrdreg $0x9  }
0xb4: {  	_ =	task.clear_ibuf [dreg:s8], $0x7FFFF;
	_ =	strace $0x90000046  }
0xb5: {  	s29 =	simm.s32 $0x9;
	_ =	strace $0x80000048  }
0xb6: {  	_ =	swait.ge [sflag:s29], $0x1  }
0xb7: {  	[sflag:s29] =	ssyncadd.s32 $0xFFFFFFFF  }
0xb8: {  	_ =	strace $0x90000048  }
0xb9: {  	_ =	sfence  }
0xba: {  	s30 =	sld [smem:$0x0];
	_ =	sdelay $0x2  }
0xbb: {  	s31 =	sshll.u32 s1, $0xD;
	s1 =	sshrl.u32 s1, $0x2  }
0xbc: {  	s3 =	sand.u32 $0x4000, s31;
	s1 =	sadd.s32 s1, s30  }
0xbd: {  	s0 =	sor.u32 s3, s0;
	s1 =	sshll.u32 s1, $0x11  }
0xbe: {  	s0 =	sor.u32 s1, s0  }
0xbf: {  	s0 =	sadd.s32 $0x8F2B, s0  }
0xc0: {  	[sflag:s0] =	ssyncadd.remote.s32 $0x1  }
0xc1: {  	_ =	sfence.sel $0xFFFF  }
0xc2: {  	[dreg:$0x0] =	wrdreg $0xFFFFFFFF;
	(pc) =	sbr.abs _section_cstart, $3  }
0xc3: {  	[dreg:$0x1] =	wrdreg $0xFFFFFFFF  }
0xc4: {  	_ =	task.clear_ibuf [dreg:s8], $0x2FFFF;
	_ =	strace $0x9FFFFFFF  }
0xc5: {  	(tm) =	ssettm $0x7FFFFFFF  }
tec
execute0_lowered:
.L_overlay_start_1:
0x0: {  	(tag) =	ssettag $0x1  }
0x1: {  	s0 =	rddreg [dreg:$0x0]  }
0x2: {  	s1 =	rddreg [dreg:$0x1]  }
0x3: {  	s10 =	rddreg [dreg:$0x2]  }
0x4: {  	s3 =	srdreg.scid;
	s12 =	stileid.u32  }
0x5: {  	s2 =	rddreg [dreg:$0x3];
	s14 =	simm.s32 $0x9;
	s28 =	simm.s32 $0x4  }
0x6: {  	s29 =	simm.s32 $0x5;
	s30 =	simm.s32 $0x6;
	s31 =	simm.s32 $0x7  }
0x7: {  	s8 =	sand.u32 $0x1, s3;
	s17 =	sshll.u32 s12, $0x1;
	s4 =	sshrl.u32 s12, $0x2  }
0x8: {  	s3 =	simm.s32 $0x0;
	s9 =	sshll.u32 s12, $0xE;
	s19 =	sshll.u32 s12, $0xB  }
0x9: {  	s20 =	sshll.u32 s12, $0x6;
	s12 =	smul.u32 $0x32000, s12;
	s6 =	sor.u32 s8, s17  }
0xa: {  	s4 =	smul.u32 $0xC800, s4;
	[smem:$0x7FF] =	sst s3;
	s18 =	ssub.s32 $0x2, s8  }
0xb: {  	s13 =	sadd.s32 s9, s2;
	s25 =	smul.u32 $0x19000, s8;
	s17 =	simm.s32 $0xC8  }
0xc: {  	s5 =	sshll.u32 s6, $0x7;
	_ =	strace $0x80000047;
	s21 =	smul.u32 $0xC8000, s6  }
0xd: {  	s7 =	sshrl.u32 s18, $0x1;
	s22 =	smul.u32 $0x19000, s6;
	s12 =	sadd.s32 s12, s10  }
0xe: {  	s13 =	sshrl.u32 s13, $0x3;
	s5 =	sand.u32 $0x380, s5;
	s11 =	ssub.s32 s18, s7  }
0xf: {  	s26 =	sadd.s32 s25, s12;
	s18 =	simm.s32 $0x1900;
	s25 =	simm.s32 $0x2  }
0x10: {  	s4 =	sor.u32 s4, s5;
	s5 =	sor.u32 $0x1C09, s20;
	s23 =	sshrl.u32 s21, $0x3  }
0x11: {  	s7 =	sadd.s32 s10, s22;
	s11 =	smax.u32 s11, $0x1;
	s12 =	sadd.s32 $0x2580, s26  }
0x12: {  	s21 =	simm.s32 $0xE100;
	s26 =	simm.s32 $0x3;
	s4 =	sshrl.u32 s4, $0x3  }
0x13: {  	s24 =	sadd.s32 s10, s23;
	s8 =	sadd.s32 $0xC80, s7;
	s23 =	simm.s32 $0x14500  }
0x14: {  	s1 =	sadd.s32 s4, s1;
	s4 =	sadd.s32 s0, s19;
	s9 =	sadd.s32 $0x1900, s24  }
0x15: {  	s10 =	sadd.s32 $0x18380, s24;
	s19 =	simm.s32 $0x7D00;
	s24 =	simm.s32 $0x1  }
0x16: {  	s0 =	simm.s32 $0x0;
	s6 =	sadd.s32 $0x400, s1;
	s1 =	simm.s32 $0x8  }
.LBB2_1:
0x17: {  	[spmem:s13], [sflag:s5] =	dma.local [hbm:s4], $0x800  }
0x18: {  	_ =	swait.ge [sflag:s14], $0x800  }
0x19: {  	[sflag:s14] =	ssyncset.done $0x0  }
0x1a: {  	s15 =	simm.s32 $0x80;
	s16 =	simm.s32 $0x400;
	[sflag:s14] =	ssyncadd.s32 $0xFFFFF800  }
0x1b: {  	[tilespmem:s3], [sflag:$0x9] =	stream.strided.gather [hbm4b:s6+s15], $0x1900, s16, s15, $0x38;
	[tilespmem:$0x1E900] =	vst v63  }
0x1c: {  	_ =	swait.ge [sflag:s14], $0x1900  }
0x1d: {  	[sflag:s14] =	ssyncset.done $0x0  }
0x1e: {  	[sflag:s14] =	ssyncadd.s32 $0xFFFFE700  }
0x1f: {  	[bflag:$0x0] =	sbarrier.arrive $0xFFFF  }
0x20: {  	[tilespmem:s18], [sflag:$0x1] =	stream.indirect.gather [spmem:s2], $0x80, s3, s17, $0xb8;
	[tilespmem:$0x1E900] =	vst v63  }
0x21: {  	_ = 	snop  }
0x22: {  	[tilespmem:s19], [sflag:$0x2] =	stream.indirect.gather [spmem:s2], $0x80, s17, s17, $0xb8;
	[tilespmem:$0x1E900] =	vst v63  }
0x23: {  	s20 =	simm.s32 $0x190  }
0x24: {  	[tilespmem:s21], [sflag:$0x3] =	stream.indirect.gather [spmem:s2], $0x80, s20, s17, $0xb8;
	[tilespmem:$0x1E900] =	vst v63  }
0x25: {  	s22 =	simm.s32 $0x258  }
0x26: {  	[tilespmem:s23], [sflag:$0x4] =	stream.indirect.gather [spmem:s2], $0x80, s22, s17, $0xb8;
	[tilespmem:$0x1E900] =	vst v63  }
0x27: {  	_ =	swait.ge [sflag:s24], $0x6400  }
0x28: {  	[sflag:s24] =	ssyncset.done $0x0  }
0x29: {  	[sflag:s24] =	ssyncadd.s32 $0xFFFF9C00  }
0x2a: {  	[hbm4b:s7+s3] =	stream.linear.scatter [tilespmem:s18], [sflag:$0x5], $0x6400, $0x38;
	[tilespmem:$0x1E900] =	vst v63  }
0x2b: {  	_ =	swait.ge [sflag:s25], $0x6400  }
0x2c: {  	[sflag:s25] =	ssyncset.done $0x0  }
0x2d: {  	[sflag:s25] =	ssyncadd.s32 $0xFFFF9C00  }
0x2e: {  	[hbm4b:s8+s3] =	stream.linear.scatter [tilespmem:s19], [sflag:$0x6], $0x6400, $0x38;
	[tilespmem:$0x1E900] =	vst v63  }
0x2f: {  	_ =	swait.ge [sflag:s26], $0x6400  }
0x30: {  	[sflag:s26] =	ssyncset.done $0x0  }
0x31: {  	[sflag:s26] =	ssyncadd.s32 $0xFFFF9C00  }
0x32: {  	[hbm4b:s9+s3] =	stream.linear.scatter [tilespmem:s21], [sflag:$0x7], $0x6400, $0x38;
	[tilespmem:$0x1E900] =	vst v63  }
0x33: {  	_ =	swait.ge [sflag:s28], $0x6400  }
0x34: {  	[sflag:s28] =	ssyncset.done $0x0  }
0x35: {  	[sflag:s28] =	ssyncadd.s32 $0xFFFF9C00  }
0x36: {  	[hbm4b:s12+s3] =	stream.linear.scatter [tilespmem:s23], [sflag:$0x8], $0x6400, $0x38;
	[tilespmem:$0x1E900] =	vst v63  }
0x37: {  	_ =	swait.ge [sflag:s29], $0x6400  }
0x38: {  	[sflag:s29] =	ssyncset.done $0x0  }
0x39: {  	s16 =	simm.s32 $0x320;
	[sflag:s29] =	ssyncadd.s32 $0xFFFF9C00  }
0x3a: {  	[tilespmem:s18], [sflag:$0x1] =	stream.indirect.gather [spmem:s2], $0x80, s16, s17, $0xb8;
	[tilespmem:$0x1E900] =	vst v63  }
0x3b: {  	_ =	swait.ge [sflag:s24], $0x6400  }
0x3c: {  	[sflag:s24] =	ssyncset.done $0x0  }
0x3d: {  	s20 =	sadd.s32 $0xC80, s12;
	[sflag:s24] =	ssyncadd.s32 $0xFFFF9C00  }
0x3e: {  	[hbm4b:s20+s3] =	stream.linear.scatter [tilespmem:s18], [sflag:$0x5], $0x6400, $0x38;
	[tilespmem:$0x1E900] =	vst v63  }
0x3f: {  	_ =	swait.ge [sflag:s30], $0x6400  }
0x40: {  	[sflag:s30] =	ssyncset.done $0x0  }
0x41: {  	s22 =	simm.s32 $0x3E8;
	[sflag:s30] =	ssyncadd.s32 $0xFFFF9C00  }
0x42: {  	[tilespmem:s19], [sflag:$0x2] =	stream.indirect.gather [spmem:s2], $0x80, s22, s17, $0xb8;
	[tilespmem:$0x1E900] =	vst v63  }
0x43: {  	_ =	swait.ge [sflag:s25], $0x6400  }
0x44: {  	[sflag:s25] =	ssyncset.done $0x0  }
0x45: {  	s16 =	sadd.s32 $0x1900, s12;
	[sflag:s25] =	ssyncadd.s32 $0xFFFF9C00  }
0x46: {  	[hbm4b:s16+s3] =	stream.linear.scatter [tilespmem:s19], [sflag:$0x6], $0x6400, $0x38;
	[tilespmem:$0x1E900] =	vst v63  }
0x47: {  	_ =	swait.ge [sflag:s31], $0x6400  }
0x48: {  	[sflag:s31] =	ssyncset.done $0x0  }
0x49: {  	s20 =	simm.s32 $0x4B0;
	[sflag:s31] =	ssyncadd.s32 $0xFFFF9C00  }
0x4a: {  	[tilespmem:s21], [sflag:$0x3] =	stream.indirect.gather [spmem:s2], $0x80, s20, s17, $0xb8;
	[tilespmem:$0x1E900] =	vst v63  }
0x4b: {  	_ =	swait.ge [sflag:s26], $0x6400  }
0x4c: {  	[sflag:s26] =	ssyncset.done $0x0  }
0x4d: {  	s22 =	sadd.s32 $0x2580, s12;
	[sflag:s26] =	ssyncadd.s32 $0xFFFF9C00  }
0x4e: {  	[hbm4b:s22+s3] =	stream.linear.scatter [tilespmem:s21], [sflag:$0x7], $0x6400, $0x38;
	[tilespmem:$0x1E900] =	vst v63  }
0x4f: {  	_ =	swait.ge [sflag:s1], $0x6400  }
0x50: {  	s15 =	simm.s32 $0xC80;
	[sflag:s1] =	ssyncset.done $0x0  }
0x51: {  	s16 =	sadd.s32 $0x3200, s12;
	s20 =	simm.s32 $0x578;
	[sflag:s1] =	ssyncadd.s32 $0xFFFF9C00  }
.LBB2_2:
0x52: {  	[tilespmem:s23], [sflag:$0x4] =	stream.indirect.gather [spmem:s2], $0x80, s20, s17, $0xb8;
	[tilespmem:$0x1E900] =	vst v63  }
0x53: {  	s20 =	smov.u32 s15  }
0x54: {  	p0 =	sne.s32 s15, $0x4B00;
	s15 =	sadd.s32 $0xC80, s15;
	_ =	swait.ge [sflag:s28], $0x6400  }
0x55: {  	[sflag:s28] =	ssyncset.done $0x0  }
0x56: {  	[sflag:s28] =	ssyncadd.s32 $0xFFFF9C00  }
0x57: {  	[hbm4b:s16+s3] =	stream.linear.scatter [tilespmem:s23], [sflag:$0x8], $0x6400, $0x38;
	[tilespmem:$0x1E900] =	vst v63  }
0x58: {  	_ =	swait.ge [sflag:s29], $0x6400  }
0x59: {  	s20 =	sshra.s32 s20, $0x2;
	[sflag:s29] =	ssyncset.done $0x0  }
0x5a: {  	s22 =	sadd.s32 $0x320, s20;
	[sflag:s29] =	ssyncadd.s32 $0xFFFF9C00  }
0x5b: {  	[tilespmem:s18], [sflag:$0x1] =	stream.indirect.gather [spmem:s2], $0x80, s22, s17, $0xb8;
	[tilespmem:$0x1E900] =	vst v63  }
0x5c: {  	_ =	swait.ge [sflag:s24], $0x6400  }
0x5d: {  	[sflag:s24] =	ssyncset.done $0x0  }
0x5e: {  	s22 =	sadd.s32 $0xC80, s16;
	[sflag:s24] =	ssyncadd.s32 $0xFFFF9C00  }
0x5f: {  	[hbm4b:s22+s3] =	stream.linear.scatter [tilespmem:s18], [sflag:$0x5], $0x6400, $0x38;
	[tilespmem:$0x1E900] =	vst v63  }
0x60: {  	_ =	swait.ge [sflag:s30], $0x6400  }
0x61: {  	[sflag:s30] =	ssyncset.done $0x0  }
0x62: {  	s22 =	sadd.s32 $0x3E8, s20;
	[sflag:s30] =	ssyncadd.s32 $0xFFFF9C00  }
0x63: {  	[tilespmem:s19], [sflag:$0x2] =	stream.indirect.gather [spmem:s2], $0x80, s22, s17, $0xb8;
	[tilespmem:$0x1E900] =	vst v63  }
0x64: {  	_ =	swait.ge [sflag:s25], $0x6400  }
0x65: {  	[sflag:s25] =	ssyncset.done $0x0  }
0x66: {  	s22 =	sadd.s32 $0x1900, s16;
	[sflag:s25] =	ssyncadd.s32 $0xFFFF9C00  }
0x67: {  	[hbm4b:s22+s3] =	stream.linear.scatter [tilespmem:s19], [sflag:$0x6], $0x6400, $0x38;
	[tilespmem:$0x1E900] =	vst v63  }
0x68: {  	_ =	swait.ge [sflag:s31], $0x6400  }
0x69: {  	[sflag:s31] =	ssyncset.done $0x0  }
0x6a: {  	s22 =	sadd.s32 $0x4B0, s20;
	[sflag:s31] =	ssyncadd.s32 $0xFFFF9C00  }
0x6b: {  	[tilespmem:s21], [sflag:$0x3] =	stream.indirect.gather [spmem:s2], $0x80, s22, s17, $0xb8;
	[tilespmem:$0x1E900] =	vst v63  }
0x6c: {  	_ =	swait.ge [sflag:s26], $0x6400  }
0x6d: {  	[sflag:s26] =	ssyncset.done $0x0  }
.Ltmp0:
0x6e: {  	s22 =	sadd.s32 $0x2580, s16;
	[sflag:s26] =	ssyncadd.s32 $0xFFFF9C00;
	(pc) =	sbr.rel @p0 .LBB2_2-.Ltmp0, $4  }
0x6f: {  	[hbm4b:s22+s3] =	stream.linear.scatter [tilespmem:s21], [sflag:$0x7], $0x6400, $0x38;
	[tilespmem:$0x1E900] =	vst v63  }
0x70: {  	_ =	swait.ge [sflag:s1], $0x6400  }
0x71: {  	[sflag:s1] =	ssyncset.done $0x0  }
0x72: {  	s20 =	sadd.s32 $0x578, s20;
	s16 =	sadd.s32 $0x3200, s16;
	[sflag:s1] =	ssyncadd.s32 $0xFFFF9C00  }
0x73: {  	[tilespmem:s23], [sflag:$0x4] =	stream.indirect.gather [spmem:s2], $0x80, s20, s17, $0xb8;
	[tilespmem:$0x1E900] =	vst v63  }
0x74: {  	_ =	swait.ge [sflag:s28], $0x6400  }
0x75: {  	[sflag:s28] =	ssyncset.done $0x0  }
0x76: {  	[sflag:s28] =	ssyncadd.s32 $0xFFFF9C00  }
0x77: {  	[hbm4b:s10+s3] =	stream.linear.scatter [tilespmem:s23], [sflag:$0x8], $0x6400, $0x38;
	[tilespmem:$0x1E900] =	vst v63  }
0x78: {  	_ =	swait.ge [sflag:s29], $0x6400  }
0x79: {  	[sflag:s29] =	ssyncset.done $0x0  }
0x7a: {  	[sflag:s29] =	ssyncadd.s32 $0xFFFF9C00  }
0x7b: {  	_ =	swait.ge [sflag:s30], $0x6400  }
0x7c: {  	[sflag:s30] =	ssyncset.done $0x0  }
0x7d: {  	s0 =	sadd.s32 $0x1, s0;
	[sflag:s30] =	ssyncadd.s32 $0xFFFF9C00  }
0x7e: {  	p0 =	sne.s32 s0, s11;
	_ =	swait.ge [sflag:s31], $0x6400  }
.Ltmp1:
0x7f: {  	[sflag:s31] =	ssyncset.done $0x0;
	(pc) =	sbr.rel @p0 .LBB2_1-.Ltmp1, $4  }
0x80: {  	[sflag:s31] =	ssyncadd.s32 $0xFFFF9C00  }
0x81: {  	_ =	swait.ge [sflag:s1], $0x6400  }
0x82: {  	[sflag:s1] =	ssyncset.done $0x0  }
0x83: {  	[sflag:s1] =	ssyncadd.s32 $0xFFFF9C00  }
0x84: {  	_ =	sfence.sel $0x180000  }
0x85: {  	[bflag:$0x0] =	sbarrier.arrive $0xFFFF  }
0x86: {  	_ =	strace $0x90000047  }
0x87: {  	s0 =	stileid.u32;
	[bflag:$0x2] =	sbarrier.arrive $0xFFFF  }
0x88: {  	p0 =	sne.s32 s0, $0x0;
	s0 =	rddreg [dreg:$0x4]  }
0x89: {  	s0 =	sadd.s32 @!p0 $0x100000, s0  }
0x8a: {  	[sflag:s0] =	ssyncadd.tile.s32 @!p0 $0x1;
	_ =	shalt  }
.Lfunc_end2:
_tile_overlayer_lowered:
.L_overlay_start_2:
0x8b: {  	(tag) =	ssettag $0x2  }
0x8c: {  	s0 =	rddreg [dreg:$0x0];
	s2 =	stileid.u32  }
0x8d: {  	s1 =	rddreg [dreg:$0x1];
	p0 =	sne.s32 s2, $0x0  }
0x8e: {  	s3 =	rddreg [dreg:$0x2];
	[bflag:$0x3] =	sbarrier.arrive $0xFFFF;
	s2 =	simm.s32 @!p0 $0x1C09  }
0x8f: {  	[timem:s3], [sflag:s2] =	dma.local @!p0 [hbm:s0], s1  }
0x90: {  	s0 =	simm.s32 @!p0 $0x9  }
0x91: {  	_ =	swait.ge @!p0 [sflag:s0], s1  }
0x92: {  	s1 =	ssub.s32 @!p0 $0x0, s1;
	[sflag:s0] =	ssyncset.done @!p0 $0x0  }
0x93: {  	[sflag:s0] =	ssyncadd.s32 @!p0 s1  }
0x94: {  	[bflag:$0x3] =	sbarrier.arrive $0xFFFF  }
0x95: {  	_ =	shalt  }

</sc_bundles>
